<compile_context>
chip_gen: v7x
topology: tpu7x:2x2x1
jax: 0.10.2.dev20260603
libtpu: 0.0.44.dev20260713+nightly
codegen_flags: <defaults>
</compile_context>

<pallas_src>
import functools

import jax
import jax.numpy as jnp
from jax import lax
from jax.experimental import pallas as pl
from jax.experimental.pallas import tpu as pltpu
from jax.experimental.pallas import tpu_sc as plsc

N = 10000
NPAD = 10240
E = 320000
D = 128

NC = 2
NS = 16
NW = NC * NS
CHUNK = 128
NCHUNK = 79
EPT = NCHUNK * CHUNK
E_PAD = NW * EPT
ROWS_W = NPAD // NS
DRAIN = ROWS_W // CHUNK

_mesh = plsc.VectorSubcoreMesh(core_axis_name="c", subcore_axis_name="s")



@functools.partial(
    pl.kernel,
    mesh=_mesh,
    out_type=jax.ShapeDtypeStruct((NC * NPAD, D), jnp.float32),
    scratch_types=[
        pltpu.VMEM((NCHUNK, CHUNK), jnp.int32),
        pltpu.VMEM((NCHUNK, CHUNK), jnp.int32),
        pltpu.VMEM((CHUNK, D), jnp.float32),
        pltpu.VMEM_SHARED((NPAD, D), jnp.float32),
        pltpu.SemaphoreType.DMA,
    ],
)
def _agg_kernel(h_hbm, src_hbm, dst_hbm, out_hbm,
                src_v, dst_v, buf, acc_sh, sem):
    cid = lax.axis_index("c")
    sid = lax.axis_index("s")
    wid = cid * NS + sid

    def fill_zero(i, _):
        def inner(j, _):
            buf[i, pl.ds(j * 16, 16)] = jnp.zeros((16,), jnp.float32)
            return ()
        lax.fori_loop(0, D // 16, inner, ())
        return ()
    lax.fori_loop(0, CHUNK, fill_zero, ())

    def zcopy(z, _):
        pltpu.sync_copy(buf, acc_sh.at[pl.ds(sid * ROWS_W + z * CHUNK, CHUNK)])
        return ()
    lax.fori_loop(0, DRAIN, zcopy, ())
    plsc.subcore_barrier()

    pltpu.sync_copy(src_hbm.at[wid], src_v)
    pltpu.sync_copy(dst_hbm.at[wid], dst_v)

    def body(g, _):
        pltpu.async_copy(h_hbm.at[src_v.at[g]], buf, sem).wait()
        pltpu.sync_copy(buf, acc_sh.at[dst_v.at[g]], add=True)
        return ()
    lax.fori_loop(0, NCHUNK, body, ())

    plsc.subcore_barrier()

    def drain(z, _):
        base = sid * ROWS_W + z * CHUNK
        pltpu.sync_copy(acc_sh.at[pl.ds(base, CHUNK)], buf)
        pltpu.sync_copy(buf, out_hbm.at[pl.ds(cid * NPAD + base, CHUNK)])
        return ()
    lax.fori_loop(0, DRAIN, drain, ())



BT = 1024


def _dinv_of(deg_ref):
    deg = deg_ref[:, 0:1] + deg_ref[:, 1:2] + 1.0
    return lax.rsqrt(deg)


def _prep_body(deg_ref, x_ref, w_ref, o_ref):
    dinv = _dinv_of(deg_ref)
    h = jnp.dot(x_ref[...], w_ref[...], preferred_element_type=jnp.float32)
    o_ref[...] = h * dinv


def _mid_body(deg_ref, p_ref, hp_ref, b_ref, w_ref, h_out_ref, hn_out_ref):
    dinv = _dinv_of(deg_ref)
    s = p_ref[0] + p_ref[1] + hp_ref[...]
    h = jnp.maximum(s * dinv + b_ref[...], 0.0)
    h_out_ref[...] = h
    hn = jnp.dot(h, w_ref[...], preferred_element_type=jnp.float32)
    hn_out_ref[...] = hn * dinv


def _fin_body(deg_ref, p_ref, hp_ref, b_ref, o_ref):
    dinv = _dinv_of(deg_ref)
    s = p_ref[0] + p_ref[1] + hp_ref[...]
    o_ref[...] = s * dinv + b_ref[...]


_spec_deg = pl.BlockSpec((BT, 2), lambda i: (i, 0))
_spec_rows = pl.BlockSpec((BT, D), lambda i: (i, 0))
_spec_p = pl.BlockSpec((NC, BT, D), lambda i: (0, i, 0))
_spec_w = pl.BlockSpec((D, D), lambda i: (0, 0))
_spec_b = pl.BlockSpec((1, D), lambda i: (0, 0))

_prep = pl.pallas_call(
    _prep_body,
    grid=(NPAD // BT,),
    in_specs=[_spec_deg, _spec_rows, _spec_w],
    out_specs=_spec_rows,
    out_shape=jax.ShapeDtypeStruct((NPAD, D), jnp.float32),
)

_mid = pl.pallas_call(
    _mid_body,
    grid=(NPAD // BT,),
    in_specs=[_spec_deg, _spec_p, _spec_rows, _spec_b, _spec_w],
    out_specs=[_spec_rows, _spec_rows],
    out_shape=[jax.ShapeDtypeStruct((NPAD, D), jnp.float32),
               jax.ShapeDtypeStruct((NPAD, D), jnp.float32)],
)

_fin = pl.pallas_call(
    _fin_body,
    grid=(NPAD // BT,),
    in_specs=[_spec_deg, _spec_p, _spec_rows, _spec_b],
    out_specs=_spec_rows,
    out_shape=jax.ShapeDtypeStruct((NPAD, D), jnp.float32),
)



def kernel(x, edge_index, W1, b1, W2, b2, W3, b3):
    x = x.astype(jnp.float32)
    fill = jnp.full((E_PAD - E,), NPAD - 1, dtype=jnp.int32)
    src3 = jnp.concatenate([edge_index[0], fill]).reshape(NW, NCHUNK, CHUNK)
    dst3 = jnp.concatenate([edge_index[1], fill]).reshape(NW, NCHUNK, CHUNK)
    xp = jnp.concatenate([x, jnp.zeros((NPAD - N, D), jnp.float32)], axis=0)

    ones_h = jnp.ones((NPAD, D), jnp.float32)
    pdeg = _agg_kernel(ones_h, src3, dst3).reshape(NC, NPAD, D)
    deg2 = pdeg[:, :, 0].transpose(1, 0)

    h1p = _prep(deg2, xp, W1)
    p1 = _agg_kernel(h1p, src3, dst3).reshape(NC, NPAD, D)
    h1, h2p = _mid(deg2, p1, h1p, b1.reshape(1, D), W2)
    p2 = _agg_kernel(h2p, src3, dst3).reshape(NC, NPAD, D)
    h2, h3p = _mid(deg2, p2, h2p, b2.reshape(1, D), W3)
    p3 = _agg_kernel(h3p, src3, dst3).reshape(NC, NPAD, D)
    y = _fin(deg2, p3, h3p, b3.reshape(1, D))

    return (y[:N], h1[:N], h2[:N])

# --- scband reference (transcript-rebuilt; emitter-appended) ---
"""Pipeline reference for scband-gcn-90744069030459 (READ-ONLY COPY).

The authoritative reference and input builder live on the scoring server;
editing this copy changes nothing except your own understanding.
"""

import jax, jax.numpy as jnp
import numpy as np

N = 10000
E = 320000
D_IN = 128
D_HID = 128
D_OUT = 128


def _glorot(key, fan_in, fan_out):
    lim = jnp.sqrt(6.0 / (fan_in + fan_out))
    return jax.random.uniform(key, (fan_in, fan_out), dtype=jnp.float32, minval=-lim, maxval=lim)


def setup_inputs(seed: int = 0) -> dict:
    key = jax.random.key(seed)
    ks = jax.random.split(key, 8)
    x = jax.random.normal(ks[0], (N, D_IN), dtype=jnp.float32)
    edge_index = jax.random.randint(ks[1], (2, E), 0, N, dtype=jnp.int32)
    W1 = _glorot(ks[2], D_IN, D_HID)
    b1 = jnp.zeros((D_HID,), dtype=jnp.float32)
    W2 = _glorot(ks[3], D_HID, D_HID)
    b2 = jnp.zeros((D_HID,), dtype=jnp.float32)
    W3 = _glorot(ks[4], D_HID, D_OUT)
    b3 = jnp.zeros((D_OUT,), dtype=jnp.float32)
    return {"x": x, "edge_index": edge_index, "W1": W1, "b1": b1, "W2": W2, "b2": b2, "W3": W3, "b3": b3}


def gcn_conv(x, edge_index, W, b):
    # PyG GCNConv: add self-loops, symmetric normalization, linear transform,
    # gather messages from src, scatter-add into dst, add bias.
    n = x.shape[0]
    src, dst = edge_index[0], edge_index[1]
    loop = jnp.arange(n, dtype=edge_index.dtype)
    src_a = jnp.concatenate([src, loop])
    dst_a = jnp.concatenate([dst, loop])
    deg = jax.ops.segment_sum(jnp.ones_like(dst_a, dtype=x.dtype), dst_a, num_segments=n)
    deg_inv_sqrt = jnp.where(deg > 0, deg ** -0.5, 0.0)
    norm = deg_inv_sqrt[src_a] * deg_inv_sqrt[dst_a]
    h = x @ W
    msg = h[src_a] * norm[:, None]
    out = jax.ops.segment_sum(msg, dst_a, num_segments=n)
    return out + b


def reference(x, edge_index, W1, b1, W2, b2, W3, b3):
    x = x.astype(jnp.float32)
    out = []
    h = gcn_conv(x, edge_index, W1, b1)
    h = jax.nn.relu(h)
    out.append(h)
    h2 = gcn_conv(h, edge_index, W2, b2)
    h2 = jax.nn.relu(h2)
    out.append(h2)
    y = gcn_conv(h2, edge_index, W3, b3)
    return (y, out[0], out[1])

if __name__ == "__main__":
    import jax
    _d = setup_inputs()
    print(jax.jit(kernel)(*tuple(_d.values())))

</pallas_src>

<mosaic_0001>
#map = affine_map<(d0, d1) -> (0, 0)>
#map1 = affine_map<(d0, d1) -> (0, 0, 0)>
module attributes {stable_mosaic.version = 14 : i64} {
  func.func @_agg_kernel(%arg0: i32, %arg1: i32, %arg2: memref<10240x128xf32, #tpu.memory_space<hbm>>, %arg3: memref<32x79x128xi32, #tpu.memory_space<hbm>>, %arg4: memref<32x79x128xi32, #tpu.memory_space<hbm>>, %arg5: memref<20480x128xf32, #tpu.memory_space<hbm>>, %arg6: memref<79x128xi32, #tpu.memory_space<vmem>>, %arg7: memref<79x128xi32, #tpu.memory_space<vmem>>, %arg8: memref<128x128xf32, #tpu.memory_space<vmem>>, %arg9: memref<10240x128xf32, #tpu.memory_space<vmem_shared>>, %arg10: memref<!tpu.dma_semaphore, #tpu.memory_space<semaphore_mem>>) attributes {dimension_semantics = [#tpu.dimension_semantics<core_parallel>, #tpu.dimension_semantics<subcore_parallel>], iteration_bounds = array<i64: 2, 16>, scalar_prefetch = 0 : i64, scratch_operands = 5 : i64, tpu.core_type = #tpu.core_type<sc_vector_subcore>, window_params = [{transform_indices = #map}, {transform_indices = #map1}, {transform_indices = #map1}, {transform_indices = #map}]} {
    %mul3A = arith.constant 16 : i32
    %mul3A_0 = arith.muli %arg0, %mul3A : i32
    %add3A = arith.addi %mul3A_0, %arg1 : i32
    %scan3A = arith.constant 0 : i32
    %scan3A_1 = arith.constant 128 : i32
    %scan3A_2 = arith.addi %scan3A, %scan3A_1 : i32
    %scan3A_3 = arith.constant 1 : i32
    scf.for %scan3A_21 = %scan3A to %scan3A_2 step %scan3A_3  : i32 {
      %scan3A_22 = arith.constant 0 : i32
      %scan3A_23 = arith.constant 8 : i32
      %scan3A_24 = arith.addi %scan3A_22, %scan3A_23 : i32
      %scan3A_25 = arith.constant 1 : i32
      scf.for %scan3A_27 = %scan3A_22 to %scan3A_24 step %scan3A_25  : i32 {
        %broadcast_in_dim3A = arith.constant 0.000000e+00 : f32
        %broadcast_in_dim3A_28 = vector.broadcast %broadcast_in_dim3A : f32 to vector<16xf32>
        %mul3A_29 = arith.constant 16 : i32
        %mul3A_30 = arith.muli %scan3A_27, %mul3A_29 : i32
        %swap3A = arith.index_cast %scan3A_21 : i32 to index
        %swap3A_31 = arith.index_cast %mul3A_30 : i32 to index
        %swap3A_32 = tpu.vector_load %arg8[%swap3A, %swap3A_31] {strides = array<i32>} : memref<128x128xf32, #tpu.memory_space<vmem>>, vector<1x16xf32>,
        %swap3A_33 = vector.shape_cast %swap3A_32 : vector<1x16xf32> to vector<16xf32>
        %swap3A_34 = vector.shape_cast %broadcast_in_dim3A_28 : vector<16xf32> to vector<1x16xf32>
        tpu.vector_store %arg8[%swap3A, %swap3A_31], %swap3A_34 {strides = array<i32>} : memref<128x128xf32, #tpu.memory_space<vmem>>, vector<1x16xf32>,
      }
      %scan3A_26 = arith.constant 8 : i32
    }
    %scan3A_4 = arith.constant 128 : i32
    %scan3A_5 = arith.constant 0 : i32
    %scan3A_6 = arith.constant 5 : i32
    %scan3A_7 = arith.addi %scan3A_5, %scan3A_6 : i32
    %scan3A_8 = arith.constant 1 : i32
    scf.for %scan3A_21 = %scan3A_5 to %scan3A_7 step %scan3A_8  : i32 {
      %mul3A_22 = arith.constant 640 : i32
      %mul3A_23 = arith.muli %arg1, %mul3A_22 : i32
      %mul3A_24 = arith.constant 128 : i32
      %mul3A_25 = arith.muli %scan3A_21, %mul3A_24 : i32
      %add3A_26 = arith.addi %mul3A_23, %mul3A_25 : i32
      "tpu.region"() ({
        %run_scoped3A = tpu.sem_alloc : memref<!tpu.dma_semaphore, #tpu.memory_space<semaphore_mem>>
        %dma_start3A = arith.constant 0 : i32
        %dma_start3A_27 = tpu.memref_slice %arg9[%add3A_26, %dma_start3A] : memref<10240x128xf32, #tpu.memory_space<vmem_shared>> -> memref<128x128xf32, #tpu.memory_space<vmem_shared>>
        %dma_start3A_28 = arith.constant 0 : i32
        %dma_start3A_29 = tpu.memref_slice %arg9[%add3A_26, %dma_start3A_28] : memref<10240x128xf32, #tpu.memory_space<vmem_shared>> -> memref<128x128xf32, #tpu.memory_space<vmem_shared>>
        tpu.enqueue_dma source(%arg8 : memref<128x128xf32, #tpu.memory_space<vmem>>) target(%dma_start3A_29 : memref<128x128xf32, #tpu.memory_space<vmem_shared>>) target_semaphore(%run_scoped3A : memref<!tpu.dma_semaphore, #tpu.memory_space<semaphore_mem>>)
        %dma_wait3A = arith.constant 0 : i32
        %dma_wait3A_30 = tpu.memref_slice %arg9[%add3A_26, %dma_wait3A] : memref<10240x128xf32, #tpu.memory_space<vmem_shared>> -> memref<128x128xf32, #tpu.memory_space<vmem_shared>>
        %dma_wait3A_31 = arith.constant 0 : i32
        %dma_wait3A_32 = tpu.memref_slice %arg9[%add3A_26, %dma_wait3A_31] : memref<10240x128xf32, #tpu.memory_space<vmem_shared>> -> memref<128x128xf32, #tpu.memory_space<vmem_shared>>
        tpu.wait_dma2 semaphore(%run_scoped3A : memref<!tpu.dma_semaphore, #tpu.memory_space<semaphore_mem>>) src(%arg8 : memref<128x128xf32, #tpu.memory_space<vmem>>) dst(%dma_wait3A_32 : memref<128x128xf32, #tpu.memory_space<vmem_shared>>)
        tpu.yield
      }) : () -> ()
    }
    %scan3A_9 = arith.constant 5 : i32
    %barrier3A = arith.constant 0 : index
    tpu.barrier barrier_id(%barrier3A)
    "tpu.region"() ({
      %run_scoped3A = tpu.sem_alloc : memref<!tpu.dma_semaphore, #tpu.memory_space<semaphore_mem>>
      %dma_start3A = arith.constant 0 : i32
      %dma_start3A_21 = arith.constant 0 : i32
      %dma_start3A_22 = tpu.memref_slice %arg3[%add3A, %dma_start3A, %dma_start3A_21] : memref<32x79x128xi32, #tpu.memory_space<hbm>> -> memref<1x79x128xi32, #tpu.memory_space<hbm>>
      %dma_start3A_23 = tpu.memref_squeeze %dma_start3A_22 : memref<1x79x128xi32, #tpu.memory_space<hbm>> -> memref<79x128xi32, #tpu.memory_space<hbm>>
      %dma_start3A_24 = arith.constant 0 : i32
      %dma_start3A_25 = arith.constant 0 : i32
      %dma_start3A_26 = tpu.memref_slice %arg3[%add3A, %dma_start3A_24, %dma_start3A_25] : memref<32x79x128xi32, #tpu.memory_space<hbm>> -> memref<1x79x128xi32, #tpu.memory_space<hbm>>
      %dma_start3A_27 = tpu.memref_squeeze %dma_start3A_26 : memref<1x79x128xi32, #tpu.memory_space<hbm>> -> memref<79x128xi32, #tpu.memory_space<hbm>>
      tpu.enqueue_dma source(%dma_start3A_27 : memref<79x128xi32, #tpu.memory_space<hbm>>) target(%arg6 : memref<79x128xi32, #tpu.memory_space<vmem>>) target_semaphore(%run_scoped3A : memref<!tpu.dma_semaphore, #tpu.memory_space<semaphore_mem>>)
      %dma_wait3A = arith.constant 0 : i32
      %dma_wait3A_28 = arith.constant 0 : i32
      %dma_wait3A_29 = tpu.memref_slice %arg3[%add3A, %dma_wait3A, %dma_wait3A_28] : memref<32x79x128xi32, #tpu.memory_space<hbm>> -> memref<1x79x128xi32, #tpu.memory_space<hbm>>
      %dma_wait3A_30 = tpu.memref_squeeze %dma_wait3A_29 : memref<1x79x128xi32, #tpu.memory_space<hbm>> -> memref<79x128xi32, #tpu.memory_space<hbm>>
      %dma_wait3A_31 = arith.constant 0 : i32
      %dma_wait3A_32 = arith.constant 0 : i32
      %dma_wait3A_33 = tpu.memref_slice %arg3[%add3A, %dma_wait3A_31, %dma_wait3A_32] : memref<32x79x128xi32, #tpu.memory_space<hbm>> -> memref<1x79x128xi32, #tpu.memory_space<hbm>>
      %dma_wait3A_34 = tpu.memref_squeeze %dma_wait3A_33 : memref<1x79x128xi32, #tpu.memory_space<hbm>> -> memref<79x128xi32, #tpu.memory_space<hbm>>
      tpu.wait_dma2 semaphore(%run_scoped3A : memref<!tpu.dma_semaphore, #tpu.memory_space<semaphore_mem>>) src(%dma_wait3A_34 : memref<79x128xi32, #tpu.memory_space<hbm>>) dst(%arg6 : memref<79x128xi32, #tpu.memory_space<vmem>>)
      tpu.yield
    }) : () -> ()
    "tpu.region"() ({
      %run_scoped3A = tpu.sem_alloc : memref<!tpu.dma_semaphore, #tpu.memory_space<semaphore_mem>>
      %dma_start3A = arith.constant 0 : i32
      %dma_start3A_21 = arith.constant 0 : i32
      %dma_start3A_22 = tpu.memref_slice %arg4[%add3A, %dma_start3A, %dma_start3A_21] : memref<32x79x128xi32, #tpu.memory_space<hbm>> -> memref<1x79x128xi32, #tpu.memory_space<hbm>>
      %dma_start3A_23 = tpu.memref_squeeze %dma_start3A_22 : memref<1x79x128xi32, #tpu.memory_space<hbm>> -> memref<79x128xi32, #tpu.memory_space<hbm>>
      %dma_start3A_24 = arith.constant 0 : i32
      %dma_start3A_25 = arith.constant 0 : i32
      %dma_start3A_26 = tpu.memref_slice %arg4[%add3A, %dma_start3A_24, %dma_start3A_25] : memref<32x79x128xi32, #tpu.memory_space<hbm>> -> memref<1x79x128xi32, #tpu.memory_space<hbm>>
      %dma_start3A_27 = tpu.memref_squeeze %dma_start3A_26 : memref<1x79x128xi32, #tpu.memory_space<hbm>> -> memref<79x128xi32, #tpu.memory_space<hbm>>
      tpu.enqueue_dma source(%dma_start3A_27 : memref<79x128xi32, #tpu.memory_space<hbm>>) target(%arg7 : memref<79x128xi32, #tpu.memory_space<vmem>>) target_semaphore(%run_scoped3A : memref<!tpu.dma_semaphore, #tpu.memory_space<semaphore_mem>>)
      %dma_wait3A = arith.constant 0 : i32
      %dma_wait3A_28 = arith.constant 0 : i32
      %dma_wait3A_29 = tpu.memref_slice %arg4[%add3A, %dma_wait3A, %dma_wait3A_28] : memref<32x79x128xi32, #tpu.memory_space<hbm>> -> memref<1x79x128xi32, #tpu.memory_space<hbm>>
      %dma_wait3A_30 = tpu.memref_squeeze %dma_wait3A_29 : memref<1x79x128xi32, #tpu.memory_space<hbm>> -> memref<79x128xi32, #tpu.memory_space<hbm>>
      %dma_wait3A_31 = arith.constant 0 : i32
      %dma_wait3A_32 = arith.constant 0 : i32
      %dma_wait3A_33 = tpu.memref_slice %arg4[%add3A, %dma_wait3A_31, %dma_wait3A_32] : memref<32x79x128xi32, #tpu.memory_space<hbm>> -> memref<1x79x128xi32, #tpu.memory_space<hbm>>
      %dma_wait3A_34 = tpu.memref_squeeze %dma_wait3A_33 : memref<1x79x128xi32, #tpu.memory_space<hbm>> -> memref<79x128xi32, #tpu.memory_space<hbm>>
      tpu.wait_dma2 semaphore(%run_scoped3A : memref<!tpu.dma_semaphore, #tpu.memory_space<semaphore_mem>>) src(%dma_wait3A_34 : memref<79x128xi32, #tpu.memory_space<hbm>>) dst(%arg7 : memref<79x128xi32, #tpu.memory_space<vmem>>)
      tpu.yield
    }) : () -> ()
    %scan3A_10 = arith.constant 0 : i32
    %scan3A_11 = arith.constant 79 : i32
    %scan3A_12 = arith.addi %scan3A_10, %scan3A_11 : i32
    %scan3A_13 = arith.constant 1 : i32
    scf.for %scan3A_21 = %scan3A_10 to %scan3A_12 step %scan3A_13  : i32 {
      %dma_start3A = arith.constant 0 : i32
      %dma_start3A_22 = tpu.memref_slice %arg6[%scan3A_21, %dma_start3A] : memref<79x128xi32, #tpu.memory_space<vmem>> -> memref<1x128xi32, #tpu.memory_space<vmem>>
      %dma_start3A_23 = tpu.memref_squeeze %dma_start3A_22 : memref<1x128xi32, #tpu.memory_space<vmem>> -> memref<128xi32, #tpu.memory_space<vmem>>
      %dma_start3A_24 = arith.constant 0 : i32
      %dma_start3A_25 = arith.constant 0 : i32
      %dma_start3A_26 = tpu.memref_slice %arg2[%dma_start3A_24, %dma_start3A_25] : memref<10240x128xf32, #tpu.memory_space<hbm>> -> memref<10240x128xf32, #tpu.memory_space<hbm>>
      tpu.enqueue_indirect_dma source(%dma_start3A_26 : memref<10240x128xf32, #tpu.memory_space<hbm>>) target(%arg8 : memref<128x128xf32, #tpu.memory_space<vmem>>) offsets(%dma_start3A_23 : memref<128xi32, #tpu.memory_space<vmem>>) semaphore(%arg10 : memref<!tpu.dma_semaphore, #tpu.memory_space<semaphore_mem>>)
      %dma_wait3A = arith.constant 0 : i32
      %dma_wait3A_27 = tpu.memref_slice %arg6[%scan3A_21, %dma_wait3A] : memref<79x128xi32, #tpu.memory_space<vmem>> -> memref<1x128xi32, #tpu.memory_space<vmem>>
      %dma_wait3A_28 = tpu.memref_squeeze %dma_wait3A_27 : memref<1x128xi32, #tpu.memory_space<vmem>> -> memref<128xi32, #tpu.memory_space<vmem>>
      %dma_wait3A_29 = arith.constant 0 : i32
      %dma_wait3A_30 = arith.constant 0 : i32
      %dma_wait3A_31 = tpu.memref_slice %arg2[%dma_wait3A_29, %dma_wait3A_30] : memref<10240x128xf32, #tpu.memory_space<hbm>> -> memref<10240x128xf32, #tpu.memory_space<hbm>>
      tpu.wait_indirect_dma semaphore(%arg10 : memref<!tpu.dma_semaphore, #tpu.memory_space<semaphore_mem>>) src(%dma_wait3A_31 : memref<10240x128xf32, #tpu.memory_space<hbm>>) dst(%arg8 : memref<128x128xf32, #tpu.memory_space<vmem>>)
      "tpu.region"() ({
        %run_scoped3A = tpu.sem_alloc : memref<!tpu.dma_semaphore, #tpu.memory_space<semaphore_mem>>
        %dma_start3A_32 = arith.constant 0 : i32
        %dma_start3A_33 = tpu.memref_slice %arg7[%scan3A_21, %dma_start3A_32] : memref<79x128xi32, #tpu.memory_space<vmem>> -> memref<1x128xi32, #tpu.memory_space<vmem>>
        %dma_start3A_34 = tpu.memref_squeeze %dma_start3A_33 : memref<1x128xi32, #tpu.memory_space<vmem>> -> memref<128xi32, #tpu.memory_space<vmem>>
        %dma_start3A_35 = arith.constant 0 : i32
        %dma_start3A_36 = arith.constant 0 : i32
        %dma_start3A_37 = tpu.memref_slice %arg9[%dma_start3A_35, %dma_start3A_36] : memref<10240x128xf32, #tpu.memory_space<vmem_shared>> -> memref<10240x128xf32, #tpu.memory_space<vmem_shared>>
        tpu.enqueue_indirect_dma source(%arg8 : memref<128x128xf32, #tpu.memory_space<vmem>>) target(%dma_start3A_37 : memref<10240x128xf32, #tpu.memory_space<vmem_shared>>) offsets(%dma_start3A_34 : memref<128xi32, #tpu.memory_space<vmem>>) semaphore(%run_scoped3A : memref<!tpu.dma_semaphore, #tpu.memory_space<semaphore_mem>>) {add = true}
        %dma_wait3A_38 = arith.constant 0 : i32
        %dma_wait3A_39 = tpu.memref_slice %arg7[%scan3A_21, %dma_wait3A_38] : memref<79x128xi32, #tpu.memory_space<vmem>> -> memref<1x128xi32, #tpu.memory_space<vmem>>
        %dma_wait3A_40 = tpu.memref_squeeze %dma_wait3A_39 : memref<1x128xi32, #tpu.memory_space<vmem>> -> memref<128xi32, #tpu.memory_space<vmem>>
        %dma_wait3A_41 = arith.constant 0 : i32
        %dma_wait3A_42 = arith.constant 0 : i32
        %dma_wait3A_43 = tpu.memref_slice %arg9[%dma_wait3A_41, %dma_wait3A_42] : memref<10240x128xf32, #tpu.memory_space<vmem_shared>> -> memref<10240x128xf32, #tpu.memory_space<vmem_shared>>
        tpu.wait_indirect_dma semaphore(%run_scoped3A : memref<!tpu.dma_semaphore, #tpu.memory_space<semaphore_mem>>) src(%arg8 : memref<128x128xf32, #tpu.memory_space<vmem>>) dst(%dma_wait3A_43 : memref<10240x128xf32, #tpu.memory_space<vmem_shared>>)
        tpu.yield
      }) : () -> ()
    }
    %scan3A_14 = arith.constant 79 : i32
    %barrier3A_15 = arith.constant 0 : index
    tpu.barrier barrier_id(%barrier3A_15)
    %scan3A_16 = arith.constant 0 : i32
    %scan3A_17 = arith.constant 5 : i32
    %scan3A_18 = arith.addi %scan3A_16, %scan3A_17 : i32
    %scan3A_19 = arith.constant 1 : i32
    scf.for %scan3A_21 = %scan3A_16 to %scan3A_18 step %scan3A_19  : i32 {
      %mul3A_22 = arith.constant 640 : i32
      %mul3A_23 = arith.muli %arg1, %mul3A_22 : i32
      %mul3A_24 = arith.constant 128 : i32
      %mul3A_25 = arith.muli %scan3A_21, %mul3A_24 : i32
      %add3A_26 = arith.addi %mul3A_23, %mul3A_25 : i32
      "tpu.region"() ({
        %run_scoped3A = tpu.sem_alloc : memref<!tpu.dma_semaphore, #tpu.memory_space<semaphore_mem>>
        %dma_start3A = arith.constant 0 : i32
        %dma_start3A_30 = tpu.memref_slice %arg9[%add3A_26, %dma_start3A] : memref<10240x128xf32, #tpu.memory_space<vmem_shared>> -> memref<128x128xf32, #tpu.memory_space<vmem_shared>>
        %dma_start3A_31 = arith.constant 0 : i32
        %dma_start3A_32 = tpu.memref_slice %arg9[%add3A_26, %dma_start3A_31] : memref<10240x128xf32, #tpu.memory_space<vmem_shared>> -> memref<128x128xf32, #tpu.memory_space<vmem_shared>>
        tpu.enqueue_dma source(%dma_start3A_32 : memref<128x128xf32, #tpu.memory_space<vmem_shared>>) target(%arg8 : memref<128x128xf32, #tpu.memory_space<vmem>>) target_semaphore(%run_scoped3A : memref<!tpu.dma_semaphore, #tpu.memory_space<semaphore_mem>>)
        %dma_wait3A = arith.constant 0 : i32
        %dma_wait3A_33 = tpu.memref_slice %arg9[%add3A_26, %dma_wait3A] : memref<10240x128xf32, #tpu.memory_space<vmem_shared>> -> memref<128x128xf32, #tpu.memory_space<vmem_shared>>
        %dma_wait3A_34 = arith.constant 0 : i32
        %dma_wait3A_35 = tpu.memref_slice %arg9[%add3A_26, %dma_wait3A_34] : memref<10240x128xf32, #tpu.memory_space<vmem_shared>> -> memref<128x128xf32, #tpu.memory_space<vmem_shared>>
        tpu.wait_dma2 semaphore(%run_scoped3A : memref<!tpu.dma_semaphore, #tpu.memory_space<semaphore_mem>>) src(%dma_wait3A_35 : memref<128x128xf32, #tpu.memory_space<vmem_shared>>) dst(%arg8 : memref<128x128xf32, #tpu.memory_space<vmem>>)
        tpu.yield
      }) : () -> ()
      %mul3A_27 = arith.constant 10240 : i32
      %mul3A_28 = arith.muli %arg0, %mul3A_27 : i32
      %add3A_29 = arith.addi %mul3A_28, %add3A_26 : i32
      "tpu.region"() ({
        %run_scoped3A = tpu.sem_alloc : memref<!tpu.dma_semaphore, #tpu.memory_space<semaphore_mem>>
        %dma_start3A = arith.constant 0 : i32
        %dma_start3A_30 = tpu.memref_slice %arg5[%add3A_29, %dma_start3A] : memref<20480x128xf32, #tpu.memory_space<hbm>> -> memref<128x128xf32, #tpu.memory_space<hbm>>
        %dma_start3A_31 = arith.constant 0 : i32
        %dma_start3A_32 = tpu.memref_slice %arg5[%add3A_29, %dma_start3A_31] : memref<20480x128xf32, #tpu.memory_space<hbm>> -> memref<128x128xf32, #tpu.memory_space<hbm>>
        tpu.enqueue_dma source(%arg8 : memref<128x128xf32, #tpu.memory_space<vmem>>) target(%dma_start3A_32 : memref<128x128xf32, #tpu.memory_space<hbm>>) target_semaphore(%run_scoped3A : memref<!tpu.dma_semaphore, #tpu.memory_space<semaphore_mem>>)
        %dma_wait3A = arith.constant 0 : i32
        %dma_wait3A_33 = tpu.memref_slice %arg5[%add3A_29, %dma_wait3A] : memref<20480x128xf32, #tpu.memory_space<hbm>> -> memref<128x128xf32, #tpu.memory_space<hbm>>
        %dma_wait3A_34 = arith.constant 0 : i32
        %dma_wait3A_35 = tpu.memref_slice %arg5[%add3A_29, %dma_wait3A_34] : memref<20480x128xf32, #tpu.memory_space<hbm>> -> memref<128x128xf32, #tpu.memory_space<hbm>>
        tpu.wait_dma2 semaphore(%run_scoped3A : memref<!tpu.dma_semaphore, #tpu.memory_space<semaphore_mem>>) src(%arg8 : memref<128x128xf32, #tpu.memory_space<vmem>>) dst(%dma_wait3A_35 : memref<128x128xf32, #tpu.memory_space<hbm>>)
        tpu.yield
      }) : () -> ()
    }
    %scan3A_20 = arith.constant 5 : i32
    return
  }
}

#map = affine_map<(d0, d1) -> (0, 0)>
#map1 = affine_map<(d0, d1) -> (0, 0, 0)>
module attributes {stable_mosaic.version = 14 : i64} {
  func.func @_agg_kernel(%arg0: i32, %arg1: i32, %arg2: memref<10240x128xf32, #tpu.memory_space<hbm>>, %arg3: memref<32x79x128xi32, #tpu.memory_space<hbm>>, %arg4: memref<32x79x128xi32, #tpu.memory_space<hbm>>, %arg5: memref<20480x128xf32, #tpu.memory_space<hbm>>, %arg6: memref<79x128xi32, #tpu.memory_space<vmem>>, %arg7: memref<79x128xi32, #tpu.memory_space<vmem>>, %arg8: memref<128x128xf32, #tpu.memory_space<vmem>>, %arg9: memref<10240x128xf32, #tpu.memory_space<vmem_shared>>, %arg10: memref<!tpu.dma_semaphore, #tpu.memory_space<semaphore_mem>>) attributes {dimension_semantics = [#tpu.dimension_semantics<core_parallel>, #tpu.dimension_semantics<subcore_parallel>], iteration_bounds = array<i64: 2, 16>, scalar_prefetch = 0 : i64, scratch_operands = 5 : i64, tpu.core_type = #tpu.core_type<sc_vector_subcore>, window_params = [{transform_indices = #map}, {transform_indices = #map1}, {transform_indices = #map1}, {transform_indices = #map}]} {
    %mul3A = arith.constant 16 : i32
    %mul3A_0 = arith.muli %arg0, %mul3A : i32
    %add3A = arith.addi %mul3A_0, %arg1 : i32
    %scan3A = arith.constant 0 : i32
    %scan3A_1 = arith.constant 128 : i32
    %scan3A_2 = arith.addi %scan3A, %scan3A_1 : i32
    %scan3A_3 = arith.constant 1 : i32
    scf.for %scan3A_21 = %scan3A to %scan3A_2 step %scan3A_3  : i32 {
      %scan3A_22 = arith.constant 0 : i32
      %scan3A_23 = arith.constant 8 : i32
      %scan3A_24 = arith.addi %scan3A_22, %scan3A_23 : i32
      %scan3A_25 = arith.constant 1 : i32
      scf.for %scan3A_27 = %scan3A_22 to %scan3A_24 step %scan3A_25  : i32 {
        %broadcast_in_dim3A = arith.constant 0.000000e+00 : f32
        %broadcast_in_dim3A_28 = vector.broadcast %broadcast_in_dim3A : f32 to vector<16xf32>
        %mul3A_29 = arith.constant 16 : i32
        %mul3A_30 = arith.muli %scan3A_27, %mul3A_29 : i32
        %swap3A = arith.index_cast %scan3A_21 : i32 to index
        %swap3A_31 = arith.index_cast %mul3A_30 : i32 to index
        %swap3A_32 = tpu.vector_load %arg8[%swap3A, %swap3A_31] {strides = array<i32>} : memref<128x128xf32, #tpu.memory_space<vmem>>, vector<1x16xf32>,
        %swap3A_33 = vector.shape_cast %swap3A_32 : vector<1x16xf32> to vector<16xf32>
        %swap3A_34 = vector.shape_cast %broadcast_in_dim3A_28 : vector<16xf32> to vector<1x16xf32>
        tpu.vector_store %arg8[%swap3A, %swap3A_31], %swap3A_34 {strides = array<i32>} : memref<128x128xf32, #tpu.memory_space<vmem>>, vector<1x16xf32>,
      }
      %scan3A_26 = arith.constant 8 : i32
    }
    %scan3A_4 = arith.constant 128 : i32
    %scan3A_5 = arith.constant 0 : i32
    %scan3A_6 = arith.constant 5 : i32
    %scan3A_7 = arith.addi %scan3A_5, %scan3A_6 : i32
    %scan3A_8 = arith.constant 1 : i32
    scf.for %scan3A_21 = %scan3A_5 to %scan3A_7 step %scan3A_8  : i32 {
      %mul3A_22 = arith.constant 640 : i32
      %mul3A_23 = arith.muli %arg1, %mul3A_22 : i32
      %mul3A_24 = arith.constant 128 : i32
      %mul3A_25 = arith.muli %scan3A_21, %mul3A_24 : i32
      %add3A_26 = arith.addi %mul3A_23, %mul3A_25 : i32
      "tpu.region"() ({
        %run_scoped3A = tpu.sem_alloc : memref<!tpu.dma_semaphore, #tpu.memory_space<semaphore_mem>>
        %dma_start3A = arith.constant 0 : i32
        %dma_start3A_27 = tpu.memref_slice %arg9[%add3A_26, %dma_start3A] : memref<10240x128xf32, #tpu.memory_space<vmem_shared>> -> memref<128x128xf32, #tpu.memory_space<vmem_shared>>
        %dma_start3A_28 = arith.constant 0 : i32
        %dma_start3A_29 = tpu.memref_slice %arg9[%add3A_26, %dma_start3A_28] : memref<10240x128xf32, #tpu.memory_space<vmem_shared>> -> memref<128x128xf32, #tpu.memory_space<vmem_shared>>
        tpu.enqueue_dma source(%arg8 : memref<128x128xf32, #tpu.memory_space<vmem>>) target(%dma_start3A_29 : memref<128x128xf32, #tpu.memory_space<vmem_shared>>) target_semaphore(%run_scoped3A : memref<!tpu.dma_semaphore, #tpu.memory_space<semaphore_mem>>)
        %dma_wait3A = arith.constant 0 : i32
        %dma_wait3A_30 = tpu.memref_slice %arg9[%add3A_26, %dma_wait3A] : memref<10240x128xf32, #tpu.memory_space<vmem_shared>> -> memref<128x128xf32, #tpu.memory_space<vmem_shared>>
        %dma_wait3A_31 = arith.constant 0 : i32
        %dma_wait3A_32 = tpu.memref_slice %arg9[%add3A_26, %dma_wait3A_31] : memref<10240x128xf32, #tpu.memory_space<vmem_shared>> -> memref<128x128xf32, #tpu.memory_space<vmem_shared>>
        tpu.wait_dma2 semaphore(%run_scoped3A : memref<!tpu.dma_semaphore, #tpu.memory_space<semaphore_mem>>) src(%arg8 : memref<128x128xf32, #tpu.memory_space<vmem>>) dst(%dma_wait3A_32 : memref<128x128xf32, #tpu.memory_space<vmem_shared>>)
        tpu.yield
      }) : () -> ()
    }
    %scan3A_9 = arith.constant 5 : i32
    %barrier3A = arith.constant 0 : index
    tpu.barrier barrier_id(%barrier3A)
    "tpu.region"() ({
      %run_scoped3A = tpu.sem_alloc : memref<!tpu.dma_semaphore, #tpu.memory_space<semaphore_mem>>
      %dma_start3A = arith.constant 0 : i32
      %dma_start3A_21 = arith.constant 0 : i32
      %dma_start3A_22 = tpu.memref_slice %arg3[%add3A, %dma_start3A, %dma_start3A_21] : memref<32x79x128xi32, #tpu.memory_space<hbm>> -> memref<1x79x128xi32, #tpu.memory_space<hbm>>
      %dma_start3A_23 = tpu.memref_squeeze %dma_start3A_22 : memref<1x79x128xi32, #tpu.memory_space<hbm>> -> memref<79x128xi32, #tpu.memory_space<hbm>>
      %dma_start3A_24 = arith.constant 0 : i32
      %dma_start3A_25 = arith.constant 0 : i32
      %dma_start3A_26 = tpu.memref_slice %arg3[%add3A, %dma_start3A_24, %dma_start3A_25] : memref<32x79x128xi32, #tpu.memory_space<hbm>> -> memref<1x79x128xi32, #tpu.memory_space<hbm>>
      %dma_start3A_27 = tpu.memref_squeeze %dma_start3A_26 : memref<1x79x128xi32, #tpu.memory_space<hbm>> -> memref<79x128xi32, #tpu.memory_space<hbm>>
      tpu.enqueue_dma source(%dma_start3A_27 : memref<79x128xi32, #tpu.memory_space<hbm>>) target(%arg6 : memref<79x128xi32, #tpu.memory_space<vmem>>) target_semaphore(%run_scoped3A : memref<!tpu.dma_semaphore, #tpu.memory_space<semaphore_mem>>)
      %dma_wait3A = arith.constant 0 : i32
      %dma_wait3A_28 = arith.constant 0 : i32
      %dma_wait3A_29 = tpu.memref_slice %arg3[%add3A, %dma_wait3A, %dma_wait3A_28] : memref<32x79x128xi32, #tpu.memory_space<hbm>> -> memref<1x79x128xi32, #tpu.memory_space<hbm>>
      %dma_wait3A_30 = tpu.memref_squeeze %dma_wait3A_29 : memref<1x79x128xi32, #tpu.memory_space<hbm>> -> memref<79x128xi32, #tpu.memory_space<hbm>>
      %dma_wait3A_31 = arith.constant 0 : i32
      %dma_wait3A_32 = arith.constant 0 : i32
      %dma_wait3A_33 = tpu.memref_slice %arg3[%add3A, %dma_wait3A_31, %dma_wait3A_32] : memref<32x79x128xi32, #tpu.memory_space<hbm>> -> memref<1x79x128xi32, #tpu.memory_space<hbm>>
      %dma_wait3A_34 = tpu.memref_squeeze %dma_wait3A_33 : memref<1x79x128xi32, #tpu.memory_space<hbm>> -> memref<79x128xi32, #tpu.memory_space<hbm>>
      tpu.wait_dma2 semaphore(%run_scoped3A : memref<!tpu.dma_semaphore, #tpu.memory_space<semaphore_mem>>) src(%dma_wait3A_34 : memref<79x128xi32, #tpu.memory_space<hbm>>) dst(%arg6 : memref<79x128xi32, #tpu.memory_space<vmem>>)
      tpu.yield
    }) : () -> ()
    "tpu.region"() ({
      %run_scoped3A = tpu.sem_alloc : memref<!tpu.dma_semaphore, #tpu.memory_space<semaphore_mem>>
      %dma_start3A = arith.constant 0 : i32
      %dma_start3A_21 = arith.constant 0 : i32
      %dma_start3A_22 = tpu.memref_slice %arg4[%add3A, %dma_start3A, %dma_start3A_21] : memref<32x79x128xi32, #tpu.memory_space<hbm>> -> memref<1x79x128xi32, #tpu.memory_space<hbm>>
      %dma_start3A_23 = tpu.memref_squeeze %dma_start3A_22 : memref<1x79x128xi32, #tpu.memory_space<hbm>> -> memref<79x128xi32, #tpu.memory_space<hbm>>
      %dma_start3A_24 = arith.constant 0 : i32
      %dma_start3A_25 = arith.constant 0 : i32
      %dma_start3A_26 = tpu.memref_slice %arg4[%add3A, %dma_start3A_24, %dma_start3A_25] : memref<32x79x128xi32, #tpu.memory_space<hbm>> -> memref<1x79x128xi32, #tpu.memory_space<hbm>>
      %dma_start3A_27 = tpu.memref_squeeze %dma_start3A_26 : memref<1x79x128xi32, #tpu.memory_space<hbm>> -> memref<79x128xi32, #tpu.memory_space<hbm>>
      tpu.enqueue_dma source(%dma_start3A_27 : memref<79x128xi32, #tpu.memory_space<hbm>>) target(%arg7 : memref<79x128xi32, #tpu.memory_space<vmem>>) target_semaphore(%run_scoped3A : memref<!tpu.dma_semaphore, #tpu.memory_space<semaphore_mem>>)
      %dma_wait3A = arith.constant 0 : i32
      %dma_wait3A_28 = arith.constant 0 : i32
      %dma_wait3A_29 = tpu.memref_slice %arg4[%add3A, %dma_wait3A, %dma_wait3A_28] : memref<32x79x128xi32, #tpu.memory_space<hbm>> -> memref<1x79x128xi32, #tpu.memory_space<hbm>>
      %dma_wait3A_30 = tpu.memref_squeeze %dma_wait3A_29 : memref<1x79x128xi32, #tpu.memory_space<hbm>> -> memref<79x128xi32, #tpu.memory_space<hbm>>
      %dma_wait3A_31 = arith.constant 0 : i32
      %dma_wait3A_32 = arith.constant 0 : i32
      %dma_wait3A_33 = tpu.memref_slice %arg4[%add3A, %dma_wait3A_31, %dma_wait3A_32] : memref<32x79x128xi32, #tpu.memory_space<hbm>> -> memref<1x79x128xi32, #tpu.memory_space<hbm>>
      %dma_wait3A_34 = tpu.memref_squeeze %dma_wait3A_33 : memref<1x79x128xi32, #tpu.memory_space<hbm>> -> memref<79x128xi32, #tpu.memory_space<hbm>>
      tpu.wait_dma2 semaphore(%run_scoped3A : memref<!tpu.dma_semaphore, #tpu.memory_space<semaphore_mem>>) src(%dma_wait3A_34 : memref<79x128xi32, #tpu.memory_space<hbm>>) dst(%arg7 : memref<79x128xi32, #tpu.memory_space<vmem>>)
      tpu.yield
    }) : () -> ()
    %scan3A_10 = arith.constant 0 : i32
    %scan3A_11 = arith.constant 79 : i32
    %scan3A_12 = arith.addi %scan3A_10, %scan3A_11 : i32
    %scan3A_13 = arith.constant 1 : i32
    scf.for %scan3A_21 = %scan3A_10 to %scan3A_12 step %scan3A_13  : i32 {
      %dma_start3A = arith.constant 0 : i32
      %dma_start3A_22 = tpu.memref_slice %arg6[%scan3A_21, %dma_start3A] : memref<79x128xi32, #tpu.memory_space<vmem>> -> memref<1x128xi32, #tpu.memory_space<vmem>>
      %dma_start3A_23 = tpu.memref_squeeze %dma_start3A_22 : memref<1x128xi32, #tpu.memory_space<vmem>> -> memref<128xi32, #tpu.memory_space<vmem>>
      %dma_start3A_24 = arith.constant 0 : i32
      %dma_start3A_25 = arith.constant 0 : i32
      %dma_start3A_26 = tpu.memref_slice %arg2[%dma_start3A_24, %dma_start3A_25] : memref<10240x128xf32, #tpu.memory_space<hbm>> -> memref<10240x128xf32, #tpu.memory_space<hbm>>
      tpu.enqueue_indirect_dma source(%dma_start3A_26 : memref<10240x128xf32, #tpu.memory_space<hbm>>) target(%arg8 : memref<128x128xf32, #tpu.memory_space<vmem>>) offsets(%dma_start3A_23 : memref<128xi32, #tpu.memory_space<vmem>>) semaphore(%arg10 : memref<!tpu.dma_semaphore, #tpu.memory_space<semaphore_mem>>)
      %dma_wait3A = arith.constant 0 : i32
      %dma_wait3A_27 = tpu.memref_slice %arg6[%scan3A_21, %dma_wait3A] : memref<79x128xi32, #tpu.memory_space<vmem>> -> memref<1x128xi32, #tpu.memory_space<vmem>>
      %dma_wait3A_28 = tpu.memref_squeeze %dma_wait3A_27 : memref<1x128xi32, #tpu.memory_space<vmem>> -> memref<128xi32, #tpu.memory_space<vmem>>
      %dma_wait3A_29 = arith.constant 0 : i32
      %dma_wait3A_30 = arith.constant 0 : i32
      %dma_wait3A_31 = tpu.memref_slice %arg2[%dma_wait3A_29, %dma_wait3A_30] : memref<10240x128xf32, #tpu.memory_space<hbm>> -> memref<10240x128xf32, #tpu.memory_space<hbm>>
      tpu.wait_indirect_dma semaphore(%arg10 : memref<!tpu.dma_semaphore, #tpu.memory_space<semaphore_mem>>) src(%dma_wait3A_31 : memref<10240x128xf32, #tpu.memory_space<hbm>>) dst(%arg8 : memref<128x128xf32, #tpu.memory_space<vmem>>)
      "tpu.region"() ({
        %run_scoped3A = tpu.sem_alloc : memref<!tpu.dma_semaphore, #tpu.memory_space<semaphore_mem>>
        %dma_start3A_32 = arith.constant 0 : i32
        %dma_start3A_33 = tpu.memref_slice %arg7[%scan3A_21, %dma_start3A_32] : memref<79x128xi32, #tpu.memory_space<vmem>> -> memref<1x128xi32, #tpu.memory_space<vmem>>
        %dma_start3A_34 = tpu.memref_squeeze %dma_start3A_33 : memref<1x128xi32, #tpu.memory_space<vmem>> -> memref<128xi32, #tpu.memory_space<vmem>>
        %dma_start3A_35 = arith.constant 0 : i32
        %dma_start3A_36 = arith.constant 0 : i32
        %dma_start3A_37 = tpu.memref_slice %arg9[%dma_start3A_35, %dma_start3A_36] : memref<10240x128xf32, #tpu.memory_space<vmem_shared>> -> memref<10240x128xf32, #tpu.memory_space<vmem_shared>>
        tpu.enqueue_indirect_dma source(%arg8 : memref<128x128xf32, #tpu.memory_space<vmem>>) target(%dma_start3A_37 : memref<10240x128xf32, #tpu.memory_space<vmem_shared>>) offsets(%dma_start3A_34 : memref<128xi32, #tpu.memory_space<vmem>>) semaphore(%run_scoped3A : memref<!tpu.dma_semaphore, #tpu.memory_space<semaphore_mem>>) {add = true}
        %dma_wait3A_38 = arith.constant 0 : i32
        %dma_wait3A_39 = tpu.memref_slice %arg7[%scan3A_21, %dma_wait3A_38] : memref<79x128xi32, #tpu.memory_space<vmem>> -> memref<1x128xi32, #tpu.memory_space<vmem>>
        %dma_wait3A_40 = tpu.memref_squeeze %dma_wait3A_39 : memref<1x128xi32, #tpu.memory_space<vmem>> -> memref<128xi32, #tpu.memory_space<vmem>>
        %dma_wait3A_41 = arith.constant 0 : i32
        %dma_wait3A_42 = arith.constant 0 : i32
        %dma_wait3A_43 = tpu.memref_slice %arg9[%dma_wait3A_41, %dma_wait3A_42] : memref<10240x128xf32, #tpu.memory_space<vmem_shared>> -> memref<10240x128xf32, #tpu.memory_space<vmem_shared>>
        tpu.wait_indirect_dma semaphore(%run_scoped3A : memref<!tpu.dma_semaphore, #tpu.memory_space<semaphore_mem>>) src(%arg8 : memref<128x128xf32, #tpu.memory_space<vmem>>) dst(%dma_wait3A_43 : memref<10240x128xf32, #tpu.memory_space<vmem_shared>>)
        tpu.yield
      }) : () -> ()
    }
    %scan3A_14 = arith.constant 79 : i32
    %barrier3A_15 = arith.constant 0 : index
    tpu.barrier barrier_id(%barrier3A_15)
    %scan3A_16 = arith.constant 0 : i32
    %scan3A_17 = arith.constant 5 : i32
    %scan3A_18 = arith.addi %scan3A_16, %scan3A_17 : i32
    %scan3A_19 = arith.constant 1 : i32
    scf.for %scan3A_21 = %scan3A_16 to %scan3A_18 step %scan3A_19  : i32 {
      %mul3A_22 = arith.constant 640 : i32
      %mul3A_23 = arith.muli %arg1, %mul3A_22 : i32
      %mul3A_24 = arith.constant 128 : i32
      %mul3A_25 = arith.muli %scan3A_21, %mul3A_24 : i32
      %add3A_26 = arith.addi %mul3A_23, %mul3A_25 : i32
      "tpu.region"() ({
        %run_scoped3A = tpu.sem_alloc : memref<!tpu.dma_semaphore, #tpu.memory_space<semaphore_mem>>
        %dma_start3A = arith.constant 0 : i32
        %dma_start3A_30 = tpu.memref_slice %arg9[%add3A_26, %dma_start3A] : memref<10240x128xf32, #tpu.memory_space<vmem_shared>> -> memref<128x128xf32, #tpu.memory_space<vmem_shared>>
        %dma_start3A_31 = arith.constant 0 : i32
        %dma_start3A_32 = tpu.memref_slice %arg9[%add3A_26, %dma_start3A_31] : memref<10240x128xf32, #tpu.memory_space<vmem_shared>> -> memref<128x128xf32, #tpu.memory_space<vmem_shared>>
        tpu.enqueue_dma source(%dma_start3A_32 : memref<128x128xf32, #tpu.memory_space<vmem_shared>>) target(%arg8 : memref<128x128xf32, #tpu.memory_space<vmem>>) target_semaphore(%run_scoped3A : memref<!tpu.dma_semaphore, #tpu.memory_space<semaphore_mem>>)
        %dma_wait3A = arith.constant 0 : i32
        %dma_wait3A_33 = tpu.memref_slice %arg9[%add3A_26, %dma_wait3A] : memref<10240x128xf32, #tpu.memory_space<vmem_shared>> -> memref<128x128xf32, #tpu.memory_space<vmem_shared>>
        %dma_wait3A_34 = arith.constant 0 : i32
        %dma_wait3A_35 = tpu.memref_slice %arg9[%add3A_26, %dma_wait3A_34] : memref<10240x128xf32, #tpu.memory_space<vmem_shared>> -> memref<128x128xf32, #tpu.memory_space<vmem_shared>>
        tpu.wait_dma2 semaphore(%run_scoped3A : memref<!tpu.dma_semaphore, #tpu.memory_space<semaphore_mem>>) src(%dma_wait3A_35 : memref<128x128xf32, #tpu.memory_space<vmem_shared>>) dst(%arg8 : memref<128x128xf32, #tpu.memory_space<vmem>>)
        tpu.yield
      }) : () -> ()
      %mul3A_27 = arith.constant 10240 : i32
      %mul3A_28 = arith.muli %arg0, %mul3A_27 : i32
      %add3A_29 = arith.addi %mul3A_28, %add3A_26 : i32
      "tpu.region"() ({
        %run_scoped3A = tpu.sem_alloc : memref<!tpu.dma_semaphore, #tpu.memory_space<semaphore_mem>>
        %dma_start3A = arith.constant 0 : i32
        %dma_start3A_30 = tpu.memref_slice %arg5[%add3A_29, %dma_start3A] : memref<20480x128xf32, #tpu.memory_space<hbm>> -> memref<128x128xf32, #tpu.memory_space<hbm>>
        %dma_start3A_31 = arith.constant 0 : i32
        %dma_start3A_32 = tpu.memref_slice %arg5[%add3A_29, %dma_start3A_31] : memref<20480x128xf32, #tpu.memory_space<hbm>> -> memref<128x128xf32, #tpu.memory_space<hbm>>
        tpu.enqueue_dma source(%arg8 : memref<128x128xf32, #tpu.memory_space<vmem>>) target(%dma_start3A_32 : memref<128x128xf32, #tpu.memory_space<hbm>>) target_semaphore(%run_scoped3A : memref<!tpu.dma_semaphore, #tpu.memory_space<semaphore_mem>>)
        %dma_wait3A = arith.constant 0 : i32
        %dma_wait3A_33 = tpu.memref_slice %arg5[%add3A_29, %dma_wait3A] : memref<20480x128xf32, #tpu.memory_space<hbm>> -> memref<128x128xf32, #tpu.memory_space<hbm>>
        %dma_wait3A_34 = arith.constant 0 : i32
        %dma_wait3A_35 = tpu.memref_slice %arg5[%add3A_29, %dma_wait3A_34] : memref<20480x128xf32, #tpu.memory_space<hbm>> -> memref<128x128xf32, #tpu.memory_space<hbm>>
        tpu.wait_dma2 semaphore(%run_scoped3A : memref<!tpu.dma_semaphore, #tpu.memory_space<semaphore_mem>>) src(%arg8 : memref<128x128xf32, #tpu.memory_space<vmem>>) dst(%dma_wait3A_35 : memref<128x128xf32, #tpu.memory_space<hbm>>)
        tpu.yield
      }) : () -> ()
    }
    %scan3A_20 = arith.constant 5 : i32
    return
  }
}

#map = affine_map<(d0, d1) -> (0, 0)>
#map1 = affine_map<(d0, d1) -> (0, 0, 0)>
module attributes {stable_mosaic.version = 14 : i64} {
  func.func @_agg_kernel(%arg0: i32, %arg1: i32, %arg2: memref<10240x128xf32, #tpu.memory_space<hbm>>, %arg3: memref<32x79x128xi32, #tpu.memory_space<hbm>>, %arg4: memref<32x79x128xi32, #tpu.memory_space<hbm>>, %arg5: memref<20480x128xf32, #tpu.memory_space<hbm>>, %arg6: memref<79x128xi32, #tpu.memory_space<vmem>>, %arg7: memref<79x128xi32, #tpu.memory_space<vmem>>, %arg8: memref<128x128xf32, #tpu.memory_space<vmem>>, %arg9: memref<10240x128xf32, #tpu.memory_space<vmem_shared>>, %arg10: memref<!tpu.dma_semaphore, #tpu.memory_space<semaphore_mem>>) attributes {dimension_semantics = [#tpu.dimension_semantics<core_parallel>, #tpu.dimension_semantics<subcore_parallel>], iteration_bounds = array<i64: 2, 16>, scalar_prefetch = 0 : i64, scratch_operands = 5 : i64, tpu.core_type = #tpu.core_type<sc_vector_subcore>, window_params = [{transform_indices = #map}, {transform_indices = #map1}, {transform_indices = #map1}, {transform_indices = #map}]} {
    %mul3A = arith.constant 16 : i32
    %mul3A_0 = arith.muli %arg0, %mul3A : i32
    %add3A = arith.addi %mul3A_0, %arg1 : i32
    %scan3A = arith.constant 0 : i32
    %scan3A_1 = arith.constant 128 : i32
    %scan3A_2 = arith.addi %scan3A, %scan3A_1 : i32
    %scan3A_3 = arith.constant 1 : i32
    scf.for %scan3A_21 = %scan3A to %scan3A_2 step %scan3A_3  : i32 {
      %scan3A_22 = arith.constant 0 : i32
      %scan3A_23 = arith.constant 8 : i32
      %scan3A_24 = arith.addi %scan3A_22, %scan3A_23 : i32
      %scan3A_25 = arith.constant 1 : i32
      scf.for %scan3A_27 = %scan3A_22 to %scan3A_24 step %scan3A_25  : i32 {
        %broadcast_in_dim3A = arith.constant 0.000000e+00 : f32
        %broadcast_in_dim3A_28 = vector.broadcast %broadcast_in_dim3A : f32 to vector<16xf32>
        %mul3A_29 = arith.constant 16 : i32
        %mul3A_30 = arith.muli %scan3A_27, %mul3A_29 : i32
        %swap3A = arith.index_cast %scan3A_21 : i32 to index
        %swap3A_31 = arith.index_cast %mul3A_30 : i32 to index
        %swap3A_32 = tpu.vector_load %arg8[%swap3A, %swap3A_31] {strides = array<i32>} : memref<128x128xf32, #tpu.memory_space<vmem>>, vector<1x16xf32>,
        %swap3A_33 = vector.shape_cast %swap3A_32 : vector<1x16xf32> to vector<16xf32>
        %swap3A_34 = vector.shape_cast %broadcast_in_dim3A_28 : vector<16xf32> to vector<1x16xf32>
        tpu.vector_store %arg8[%swap3A, %swap3A_31], %swap3A_34 {strides = array<i32>} : memref<128x128xf32, #tpu.memory_space<vmem>>, vector<1x16xf32>,
      }
      %scan3A_26 = arith.constant 8 : i32
    }
    %scan3A_4 = arith.constant 128 : i32
    %scan3A_5 = arith.constant 0 : i32
    %scan3A_6 = arith.constant 5 : i32
    %scan3A_7 = arith.addi %scan3A_5, %scan3A_6 : i32
    %scan3A_8 = arith.constant 1 : i32
    scf.for %scan3A_21 = %scan3A_5 to %scan3A_7 step %scan3A_8  : i32 {
      %mul3A_22 = arith.constant 640 : i32
      %mul3A_23 = arith.muli %arg1, %mul3A_22 : i32
      %mul3A_24 = arith.constant 128 : i32
      %mul3A_25 = arith.muli %scan3A_21, %mul3A_24 : i32
      %add3A_26 = arith.addi %mul3A_23, %mul3A_25 : i32
      "tpu.region"() ({
        %run_scoped3A = tpu.sem_alloc : memref<!tpu.dma_semaphore, #tpu.memory_space<semaphore_mem>>
        %dma_start3A = arith.constant 0 : i32
        %dma_start3A_27 = tpu.memref_slice %arg9[%add3A_26, %dma_start3A] : memref<10240x128xf32, #tpu.memory_space<vmem_shared>> -> memref<128x128xf32, #tpu.memory_space<vmem_shared>>
        %dma_start3A_28 = arith.constant 0 : i32
        %dma_start3A_29 = tpu.memref_slice %arg9[%add3A_26, %dma_start3A_28] : memref<10240x128xf32, #tpu.memory_space<vmem_shared>> -> memref<128x128xf32, #tpu.memory_space<vmem_shared>>
        tpu.enqueue_dma source(%arg8 : memref<128x128xf32, #tpu.memory_space<vmem>>) target(%dma_start3A_29 : memref<128x128xf32, #tpu.memory_space<vmem_shared>>) target_semaphore(%run_scoped3A : memref<!tpu.dma_semaphore, #tpu.memory_space<semaphore_mem>>)
        %dma_wait3A = arith.constant 0 : i32
        %dma_wait3A_30 = tpu.memref_slice %arg9[%add3A_26, %dma_wait3A] : memref<10240x128xf32, #tpu.memory_space<vmem_shared>> -> memref<128x128xf32, #tpu.memory_space<vmem_shared>>
        %dma_wait3A_31 = arith.constant 0 : i32
        %dma_wait3A_32 = tpu.memref_slice %arg9[%add3A_26, %dma_wait3A_31] : memref<10240x128xf32, #tpu.memory_space<vmem_shared>> -> memref<128x128xf32, #tpu.memory_space<vmem_shared>>
        tpu.wait_dma2 semaphore(%run_scoped3A : memref<!tpu.dma_semaphore, #tpu.memory_space<semaphore_mem>>) src(%arg8 : memref<128x128xf32, #tpu.memory_space<vmem>>) dst(%dma_wait3A_32 : memref<128x128xf32, #tpu.memory_space<vmem_shared>>)
        tpu.yield
      }) : () -> ()
    }
    %scan3A_9 = arith.constant 5 : i32
    %barrier3A = arith.constant 0 : index
    tpu.barrier barrier_id(%barrier3A)
    "tpu.region"() ({
      %run_scoped3A = tpu.sem_alloc : memref<!tpu.dma_semaphore, #tpu.memory_space<semaphore_mem>>
      %dma_start3A = arith.constant 0 : i32
      %dma_start3A_21 = arith.constant 0 : i32
      %dma_start3A_22 = tpu.memref_slice %arg3[%add3A, %dma_start3A, %dma_start3A_21] : memref<32x79x128xi32, #tpu.memory_space<hbm>> -> memref<1x79x128xi32, #tpu.memory_space<hbm>>
      %dma_start3A_23 = tpu.memref_squeeze %dma_start3A_22 : memref<1x79x128xi32, #tpu.memory_space<hbm>> -> memref<79x128xi32, #tpu.memory_space<hbm>>
      %dma_start3A_24 = arith.constant 0 : i32
      %dma_start3A_25 = arith.constant 0 : i32
      %dma_start3A_26 = tpu.memref_slice %arg3[%add3A, %dma_start3A_24, %dma_start3A_25] : memref<32x79x128xi32, #tpu.memory_space<hbm>> -> memref<1x79x128xi32, #tpu.memory_space<hbm>>
      %dma_start3A_27 = tpu.memref_squeeze %dma_start3A_26 : memref<1x79x128xi32, #tpu.memory_space<hbm>> -> memref<79x128xi32, #tpu.memory_space<hbm>>
      tpu.enqueue_dma source(%dma_start3A_27 : memref<79x128xi32, #tpu.memory_space<hbm>>) target(%arg6 : memref<79x128xi32, #tpu.memory_space<vmem>>) target_semaphore(%run_scoped3A : memref<!tpu.dma_semaphore, #tpu.memory_space<semaphore_mem>>)
      %dma_wait3A = arith.constant 0 : i32
      %dma_wait3A_28 = arith.constant 0 : i32
      %dma_wait3A_29 = tpu.memref_slice %arg3[%add3A, %dma_wait3A, %dma_wait3A_28] : memref<32x79x128xi32, #tpu.memory_space<hbm>> -> memref<1x79x128xi32, #tpu.memory_space<hbm>>
      %dma_wait3A_30 = tpu.memref_squeeze %dma_wait3A_29 : memref<1x79x128xi32, #tpu.memory_space<hbm>> -> memref<79x128xi32, #tpu.memory_space<hbm>>
      %dma_wait3A_31 = arith.constant 0 : i32
      %dma_wait3A_32 = arith.constant 0 : i32
      %dma_wait3A_33 = tpu.memref_slice %arg3[%add3A, %dma_wait3A_31, %dma_wait3A_32] : memref<32x79x128xi32, #tpu.memory_space<hbm>> -> memref<1x79x128xi32, #tpu.memory_space<hbm>>
      %dma_wait3A_34 = tpu.memref_squeeze %dma_wait3A_33 : memref<1x79x128xi32, #tpu.memory_space<hbm>> -> memref<79x128xi32, #tpu.memory_space<hbm>>
      tpu.wait_dma2 semaphore(%run_scoped3A : memref<!tpu.dma_semaphore, #tpu.memory_space<semaphore_mem>>) src(%dma_wait3A_34 : memref<79x128xi32, #tpu.memory_space<hbm>>) dst(%arg6 : memref<79x128xi32, #tpu.memory_space<vmem>>)
      tpu.yield
    }) : () -> ()
    "tpu.region"() ({
      %run_scoped3A = tpu.sem_alloc : memref<!tpu.dma_semaphore, #tpu.memory_space<semaphore_mem>>
      %dma_start3A = arith.constant 0 : i32
      %dma_start3A_21 = arith.constant 0 : i32
      %dma_start3A_22 = tpu.memref_slice %arg4[%add3A, %dma_start3A, %dma_start3A_21] : memref<32x79x128xi32, #tpu.memory_space<hbm>> -> memref<1x79x128xi32, #tpu.memory_space<hbm>>
      %dma_start3A_23 = tpu.memref_squeeze %dma_start3A_22 : memref<1x79x128xi32, #tpu.memory_space<hbm>> -> memref<79x128xi32, #tpu.memory_space<hbm>>
      %dma_start3A_24 = arith.constant 0 : i32
      %dma_start3A_25 = arith.constant 0 : i32
      %dma_start3A_26 = tpu.memref_slice %arg4[%add3A, %dma_start3A_24, %dma_start3A_25] : memref<32x79x128xi32, #tpu.memory_space<hbm>> -> memref<1x79x128xi32, #tpu.memory_space<hbm>>
      %dma_start3A_27 = tpu.memref_squeeze %dma_start3A_26 : memref<1x79x128xi32, #tpu.memory_space<hbm>> -> memref<79x128xi32, #tpu.memory_space<hbm>>
      tpu.enqueue_dma source(%dma_start3A_27 : memref<79x128xi32, #tpu.memory_space<hbm>>) target(%arg7 : memref<79x128xi32, #tpu.memory_space<vmem>>) target_semaphore(%run_scoped3A : memref<!tpu.dma_semaphore, #tpu.memory_space<semaphore_mem>>)
      %dma_wait3A = arith.constant 0 : i32
      %dma_wait3A_28 = arith.constant 0 : i32
      %dma_wait3A_29 = tpu.memref_slice %arg4[%add3A, %dma_wait3A, %dma_wait3A_28] : memref<32x79x128xi32, #tpu.memory_space<hbm>> -> memref<1x79x128xi32, #tpu.memory_space<hbm>>
      %dma_wait3A_30 = tpu.memref_squeeze %dma_wait3A_29 : memref<1x79x128xi32, #tpu.memory_space<hbm>> -> memref<79x128xi32, #tpu.memory_space<hbm>>
      %dma_wait3A_31 = arith.constant 0 : i32
      %dma_wait3A_32 = arith.constant 0 : i32
      %dma_wait3A_33 = tpu.memref_slice %arg4[%add3A, %dma_wait3A_31, %dma_wait3A_32] : memref<32x79x128xi32, #tpu.memory_space<hbm>> -> memref<1x79x128xi32, #tpu.memory_space<hbm>>
      %dma_wait3A_34 = tpu.memref_squeeze %dma_wait3A_33 : memref<1x79x128xi32, #tpu.memory_space<hbm>> -> memref<79x128xi32, #tpu.memory_space<hbm>>
      tpu.wait_dma2 semaphore(%run_scoped3A : memref<!tpu.dma_semaphore, #tpu.memory_space<semaphore_mem>>) src(%dma_wait3A_34 : memref<79x128xi32, #tpu.memory_space<hbm>>) dst(%arg7 : memref<79x128xi32, #tpu.memory_space<vmem>>)
      tpu.yield
    }) : () -> ()
    %scan3A_10 = arith.constant 0 : i32
    %scan3A_11 = arith.constant 79 : i32
    %scan3A_12 = arith.addi %scan3A_10, %scan3A_11 : i32
    %scan3A_13 = arith.constant 1 : i32
    scf.for %scan3A_21 = %scan3A_10 to %scan3A_12 step %scan3A_13  : i32 {
      %dma_start3A = arith.constant 0 : i32
      %dma_start3A_22 = tpu.memref_slice %arg6[%scan3A_21, %dma_start3A] : memref<79x128xi32, #tpu.memory_space<vmem>> -> memref<1x128xi32, #tpu.memory_space<vmem>>
      %dma_start3A_23 = tpu.memref_squeeze %dma_start3A_22 : memref<1x128xi32, #tpu.memory_space<vmem>> -> memref<128xi32, #tpu.memory_space<vmem>>
      %dma_start3A_24 = arith.constant 0 : i32
      %dma_start3A_25 = arith.constant 0 : i32
      %dma_start3A_26 = tpu.memref_slice %arg2[%dma_start3A_24, %dma_start3A_25] : memref<10240x128xf32, #tpu.memory_space<hbm>> -> memref<10240x128xf32, #tpu.memory_space<hbm>>
      tpu.enqueue_indirect_dma source(%dma_start3A_26 : memref<10240x128xf32, #tpu.memory_space<hbm>>) target(%arg8 : memref<128x128xf32, #tpu.memory_space<vmem>>) offsets(%dma_start3A_23 : memref<128xi32, #tpu.memory_space<vmem>>) semaphore(%arg10 : memref<!tpu.dma_semaphore, #tpu.memory_space<semaphore_mem>>)
      %dma_wait3A = arith.constant 0 : i32
      %dma_wait3A_27 = tpu.memref_slice %arg6[%scan3A_21, %dma_wait3A] : memref<79x128xi32, #tpu.memory_space<vmem>> -> memref<1x128xi32, #tpu.memory_space<vmem>>
      %dma_wait3A_28 = tpu.memref_squeeze %dma_wait3A_27 : memref<1x128xi32, #tpu.memory_space<vmem>> -> memref<128xi32, #tpu.memory_space<vmem>>
      %dma_wait3A_29 = arith.constant 0 : i32
      %dma_wait3A_30 = arith.constant 0 : i32
      %dma_wait3A_31 = tpu.memref_slice %arg2[%dma_wait3A_29, %dma_wait3A_30] : memref<10240x128xf32, #tpu.memory_space<hbm>> -> memref<10240x128xf32, #tpu.memory_space<hbm>>
      tpu.wait_indirect_dma semaphore(%arg10 : memref<!tpu.dma_semaphore, #tpu.memory_space<semaphore_mem>>) src(%dma_wait3A_31 : memref<10240x128xf32, #tpu.memory_space<hbm>>) dst(%arg8 : memref<128x128xf32, #tpu.memory_space<vmem>>)
      "tpu.region"() ({
        %run_scoped3A = tpu.sem_alloc : memref<!tpu.dma_semaphore, #tpu.memory_space<semaphore_mem>>
        %dma_start3A_32 = arith.constant 0 : i32
        %dma_start3A_33 = tpu.memref_slice %arg7[%scan3A_21, %dma_start3A_32] : memref<79x128xi32, #tpu.memory_space<vmem>> -> memref<1x128xi32, #tpu.memory_space<vmem>>
        %dma_start3A_34 = tpu.memref_squeeze %dma_start3A_33 : memref<1x128xi32, #tpu.memory_space<vmem>> -> memref<128xi32, #tpu.memory_space<vmem>>
        %dma_start3A_35 = arith.constant 0 : i32
        %dma_start3A_36 = arith.constant 0 : i32
        %dma_start3A_37 = tpu.memref_slice %arg9[%dma_start3A_35, %dma_start3A_36] : memref<10240x128xf32, #tpu.memory_space<vmem_shared>> -> memref<10240x128xf32, #tpu.memory_space<vmem_shared>>
        tpu.enqueue_indirect_dma source(%arg8 : memref<128x128xf32, #tpu.memory_space<vmem>>) target(%dma_start3A_37 : memref<10240x128xf32, #tpu.memory_space<vmem_shared>>) offsets(%dma_start3A_34 : memref<128xi32, #tpu.memory_space<vmem>>) semaphore(%run_scoped3A : memref<!tpu.dma_semaphore, #tpu.memory_space<semaphore_mem>>) {add = true}
        %dma_wait3A_38 = arith.constant 0 : i32
        %dma_wait3A_39 = tpu.memref_slice %arg7[%scan3A_21, %dma_wait3A_38] : memref<79x128xi32, #tpu.memory_space<vmem>> -> memref<1x128xi32, #tpu.memory_space<vmem>>
        %dma_wait3A_40 = tpu.memref_squeeze %dma_wait3A_39 : memref<1x128xi32, #tpu.memory_space<vmem>> -> memref<128xi32, #tpu.memory_space<vmem>>
        %dma_wait3A_41 = arith.constant 0 : i32
        %dma_wait3A_42 = arith.constant 0 : i32
        %dma_wait3A_43 = tpu.memref_slice %arg9[%dma_wait3A_41, %dma_wait3A_42] : memref<10240x128xf32, #tpu.memory_space<vmem_shared>> -> memref<10240x128xf32, #tpu.memory_space<vmem_shared>>
        tpu.wait_indirect_dma semaphore(%run_scoped3A : memref<!tpu.dma_semaphore, #tpu.memory_space<semaphore_mem>>) src(%arg8 : memref<128x128xf32, #tpu.memory_space<vmem>>) dst(%dma_wait3A_43 : memref<10240x128xf32, #tpu.memory_space<vmem_shared>>)
        tpu.yield
      }) : () -> ()
    }
    %scan3A_14 = arith.constant 79 : i32
    %barrier3A_15 = arith.constant 0 : index
    tpu.barrier barrier_id(%barrier3A_15)
    %scan3A_16 = arith.constant 0 : i32
    %scan3A_17 = arith.constant 5 : i32
    %scan3A_18 = arith.addi %scan3A_16, %scan3A_17 : i32
    %scan3A_19 = arith.constant 1 : i32
    scf.for %scan3A_21 = %scan3A_16 to %scan3A_18 step %scan3A_19  : i32 {
      %mul3A_22 = arith.constant 640 : i32
      %mul3A_23 = arith.muli %arg1, %mul3A_22 : i32
      %mul3A_24 = arith.constant 128 : i32
      %mul3A_25 = arith.muli %scan3A_21, %mul3A_24 : i32
      %add3A_26 = arith.addi %mul3A_23, %mul3A_25 : i32
      "tpu.region"() ({
        %run_scoped3A = tpu.sem_alloc : memref<!tpu.dma_semaphore, #tpu.memory_space<semaphore_mem>>
        %dma_start3A = arith.constant 0 : i32
        %dma_start3A_30 = tpu.memref_slice %arg9[%add3A_26, %dma_start3A] : memref<10240x128xf32, #tpu.memory_space<vmem_shared>> -> memref<128x128xf32, #tpu.memory_space<vmem_shared>>
        %dma_start3A_31 = arith.constant 0 : i32
        %dma_start3A_32 = tpu.memref_slice %arg9[%add3A_26, %dma_start3A_31] : memref<10240x128xf32, #tpu.memory_space<vmem_shared>> -> memref<128x128xf32, #tpu.memory_space<vmem_shared>>
        tpu.enqueue_dma source(%dma_start3A_32 : memref<128x128xf32, #tpu.memory_space<vmem_shared>>) target(%arg8 : memref<128x128xf32, #tpu.memory_space<vmem>>) target_semaphore(%run_scoped3A : memref<!tpu.dma_semaphore, #tpu.memory_space<semaphore_mem>>)
        %dma_wait3A = arith.constant 0 : i32
        %dma_wait3A_33 = tpu.memref_slice %arg9[%add3A_26, %dma_wait3A] : memref<10240x128xf32, #tpu.memory_space<vmem_shared>> -> memref<128x128xf32, #tpu.memory_space<vmem_shared>>
        %dma_wait3A_34 = arith.constant 0 : i32
        %dma_wait3A_35 = tpu.memref_slice %arg9[%add3A_26, %dma_wait3A_34] : memref<10240x128xf32, #tpu.memory_space<vmem_shared>> -> memref<128x128xf32, #tpu.memory_space<vmem_shared>>
        tpu.wait_dma2 semaphore(%run_scoped3A : memref<!tpu.dma_semaphore, #tpu.memory_space<semaphore_mem>>) src(%dma_wait3A_35 : memref<128x128xf32, #tpu.memory_space<vmem_shared>>) dst(%arg8 : memref<128x128xf32, #tpu.memory_space<vmem>>)
        tpu.yield
      }) : () -> ()
      %mul3A_27 = arith.constant 10240 : i32
      %mul3A_28 = arith.muli %arg0, %mul3A_27 : i32
      %add3A_29 = arith.addi %mul3A_28, %add3A_26 : i32
      "tpu.region"() ({
        %run_scoped3A = tpu.sem_alloc : memref<!tpu.dma_semaphore, #tpu.memory_space<semaphore_mem>>
        %dma_start3A = arith.constant 0 : i32
        %dma_start3A_30 = tpu.memref_slice %arg5[%add3A_29, %dma_start3A] : memref<20480x128xf32, #tpu.memory_space<hbm>> -> memref<128x128xf32, #tpu.memory_space<hbm>>
        %dma_start3A_31 = arith.constant 0 : i32
        %dma_start3A_32 = tpu.memref_slice %arg5[%add3A_29, %dma_start3A_31] : memref<20480x128xf32, #tpu.memory_space<hbm>> -> memref<128x128xf32, #tpu.memory_space<hbm>>
        tpu.enqueue_dma source(%arg8 : memref<128x128xf32, #tpu.memory_space<vmem>>) target(%dma_start3A_32 : memref<128x128xf32, #tpu.memory_space<hbm>>) target_semaphore(%run_scoped3A : memref<!tpu.dma_semaphore, #tpu.memory_space<semaphore_mem>>)
        %dma_wait3A = arith.constant 0 : i32
        %dma_wait3A_33 = tpu.memref_slice %arg5[%add3A_29, %dma_wait3A] : memref<20480x128xf32, #tpu.memory_space<hbm>> -> memref<128x128xf32, #tpu.memory_space<hbm>>
        %dma_wait3A_34 = arith.constant 0 : i32
        %dma_wait3A_35 = tpu.memref_slice %arg5[%add3A_29, %dma_wait3A_34] : memref<20480x128xf32, #tpu.memory_space<hbm>> -> memref<128x128xf32, #tpu.memory_space<hbm>>
        tpu.wait_dma2 semaphore(%run_scoped3A : memref<!tpu.dma_semaphore, #tpu.memory_space<semaphore_mem>>) src(%arg8 : memref<128x128xf32, #tpu.memory_space<vmem>>) dst(%dma_wait3A_35 : memref<128x128xf32, #tpu.memory_space<hbm>>)
        tpu.yield
      }) : () -> ()
    }
    %scan3A_20 = arith.constant 5 : i32
    return
  }
}

#map = affine_map<(d0, d1) -> (0, 0)>
#map1 = affine_map<(d0, d1) -> (0, 0, 0)>
module attributes {stable_mosaic.version = 14 : i64} {
  func.func @_agg_kernel(%arg0: i32, %arg1: i32, %arg2: memref<10240x128xf32, #tpu.memory_space<hbm>>, %arg3: memref<32x79x128xi32, #tpu.memory_space<hbm>>, %arg4: memref<32x79x128xi32, #tpu.memory_space<hbm>>, %arg5: memref<20480x128xf32, #tpu.memory_space<hbm>>, %arg6: memref<79x128xi32, #tpu.memory_space<vmem>>, %arg7: memref<79x128xi32, #tpu.memory_space<vmem>>, %arg8: memref<128x128xf32, #tpu.memory_space<vmem>>, %arg9: memref<10240x128xf32, #tpu.memory_space<vmem_shared>>, %arg10: memref<!tpu.dma_semaphore, #tpu.memory_space<semaphore_mem>>) attributes {dimension_semantics = [#tpu.dimension_semantics<core_parallel>, #tpu.dimension_semantics<subcore_parallel>], iteration_bounds = array<i64: 2, 16>, scalar_prefetch = 0 : i64, scratch_operands = 5 : i64, tpu.core_type = #tpu.core_type<sc_vector_subcore>, window_params = [{transform_indices = #map}, {transform_indices = #map1}, {transform_indices = #map1}, {transform_indices = #map}]} {
    %mul3A = arith.constant 16 : i32
    %mul3A_0 = arith.muli %arg0, %mul3A : i32
    %add3A = arith.addi %mul3A_0, %arg1 : i32
    %scan3A = arith.constant 0 : i32
    %scan3A_1 = arith.constant 128 : i32
    %scan3A_2 = arith.addi %scan3A, %scan3A_1 : i32
    %scan3A_3 = arith.constant 1 : i32
    scf.for %scan3A_21 = %scan3A to %scan3A_2 step %scan3A_3  : i32 {
      %scan3A_22 = arith.constant 0 : i32
      %scan3A_23 = arith.constant 8 : i32
      %scan3A_24 = arith.addi %scan3A_22, %scan3A_23 : i32
      %scan3A_25 = arith.constant 1 : i32
      scf.for %scan3A_27 = %scan3A_22 to %scan3A_24 step %scan3A_25  : i32 {
        %broadcast_in_dim3A = arith.constant 0.000000e+00 : f32
        %broadcast_in_dim3A_28 = vector.broadcast %broadcast_in_dim3A : f32 to vector<16xf32>
        %mul3A_29 = arith.constant 16 : i32
        %mul3A_30 = arith.muli %scan3A_27, %mul3A_29 : i32
        %swap3A = arith.index_cast %scan3A_21 : i32 to index
        %swap3A_31 = arith.index_cast %mul3A_30 : i32 to index
        %swap3A_32 = tpu.vector_load %arg8[%swap3A, %swap3A_31] {strides = array<i32>} : memref<128x128xf32, #tpu.memory_space<vmem>>, vector<1x16xf32>,
        %swap3A_33 = vector.shape_cast %swap3A_32 : vector<1x16xf32> to vector<16xf32>
        %swap3A_34 = vector.shape_cast %broadcast_in_dim3A_28 : vector<16xf32> to vector<1x16xf32>
        tpu.vector_store %arg8[%swap3A, %swap3A_31], %swap3A_34 {strides = array<i32>} : memref<128x128xf32, #tpu.memory_space<vmem>>, vector<1x16xf32>,
      }
      %scan3A_26 = arith.constant 8 : i32
    }
    %scan3A_4 = arith.constant 128 : i32
    %scan3A_5 = arith.constant 0 : i32
    %scan3A_6 = arith.constant 5 : i32
    %scan3A_7 = arith.addi %scan3A_5, %scan3A_6 : i32
    %scan3A_8 = arith.constant 1 : i32
    scf.for %scan3A_21 = %scan3A_5 to %scan3A_7 step %scan3A_8  : i32 {
      %mul3A_22 = arith.constant 640 : i32
      %mul3A_23 = arith.muli %arg1, %mul3A_22 : i32
      %mul3A_24 = arith.constant 128 : i32
      %mul3A_25 = arith.muli %scan3A_21, %mul3A_24 : i32
      %add3A_26 = arith.addi %mul3A_23, %mul3A_25 : i32
      "tpu.region"() ({
        %run_scoped3A = tpu.sem_alloc : memref<!tpu.dma_semaphore, #tpu.memory_space<semaphore_mem>>
        %dma_start3A = arith.constant 0 : i32
        %dma_start3A_27 = tpu.memref_slice %arg9[%add3A_26, %dma_start3A] : memref<10240x128xf32, #tpu.memory_space<vmem_shared>> -> memref<128x128xf32, #tpu.memory_space<vmem_shared>>
        %dma_start3A_28 = arith.constant 0 : i32
        %dma_start3A_29 = tpu.memref_slice %arg9[%add3A_26, %dma_start3A_28] : memref<10240x128xf32, #tpu.memory_space<vmem_shared>> -> memref<128x128xf32, #tpu.memory_space<vmem_shared>>
        tpu.enqueue_dma source(%arg8 : memref<128x128xf32, #tpu.memory_space<vmem>>) target(%dma_start3A_29 : memref<128x128xf32, #tpu.memory_space<vmem_shared>>) target_semaphore(%run_scoped3A : memref<!tpu.dma_semaphore, #tpu.memory_space<semaphore_mem>>)
        %dma_wait3A = arith.constant 0 : i32
        %dma_wait3A_30 = tpu.memref_slice %arg9[%add3A_26, %dma_wait3A] : memref<10240x128xf32, #tpu.memory_space<vmem_shared>> -> memref<128x128xf32, #tpu.memory_space<vmem_shared>>
        %dma_wait3A_31 = arith.constant 0 : i32
        %dma_wait3A_32 = tpu.memref_slice %arg9[%add3A_26, %dma_wait3A_31] : memref<10240x128xf32, #tpu.memory_space<vmem_shared>> -> memref<128x128xf32, #tpu.memory_space<vmem_shared>>
        tpu.wait_dma2 semaphore(%run_scoped3A : memref<!tpu.dma_semaphore, #tpu.memory_space<semaphore_mem>>) src(%arg8 : memref<128x128xf32, #tpu.memory_space<vmem>>) dst(%dma_wait3A_32 : memref<128x128xf32, #tpu.memory_space<vmem_shared>>)
        tpu.yield
      }) : () -> ()
    }
    %scan3A_9 = arith.constant 5 : i32
    %barrier3A = arith.constant 0 : index
    tpu.barrier barrier_id(%barrier3A)
    "tpu.region"() ({
      %run_scoped3A = tpu.sem_alloc : memref<!tpu.dma_semaphore, #tpu.memory_space<semaphore_mem>>
      %dma_start3A = arith.constant 0 : i32
      %dma_start3A_21 = arith.constant 0 : i32
      %dma_start3A_22 = tpu.memref_slice %arg3[%add3A, %dma_start3A, %dma_start3A_21] : memref<32x79x128xi32, #tpu.memory_space<hbm>> -> memref<1x79x128xi32, #tpu.memory_space<hbm>>
      %dma_start3A_23 = tpu.memref_squeeze %dma_start3A_22 : memref<1x79x128xi32, #tpu.memory_space<hbm>> -> memref<79x128xi32, #tpu.memory_space<hbm>>
      %dma_start3A_24 = arith.constant 0 : i32
      %dma_start3A_25 = arith.constant 0 : i32
      %dma_start3A_26 = tpu.memref_slice %arg3[%add3A, %dma_start3A_24, %dma_start3A_25] : memref<32x79x128xi32, #tpu.memory_space<hbm>> -> memref<1x79x128xi32, #tpu.memory_space<hbm>>
      %dma_start3A_27 = tpu.memref_squeeze %dma_start3A_26 : memref<1x79x128xi32, #tpu.memory_space<hbm>> -> memref<79x128xi32, #tpu.memory_space<hbm>>
      tpu.enqueue_dma source(%dma_start3A_27 : memref<79x128xi32, #tpu.memory_space<hbm>>) target(%arg6 : memref<79x128xi32, #tpu.memory_space<vmem>>) target_semaphore(%run_scoped3A : memref<!tpu.dma_semaphore, #tpu.memory_space<semaphore_mem>>)
      %dma_wait3A = arith.constant 0 : i32
      %dma_wait3A_28 = arith.constant 0 : i32
      %dma_wait3A_29 = tpu.memref_slice %arg3[%add3A, %dma_wait3A, %dma_wait3A_28] : memref<32x79x128xi32, #tpu.memory_space<hbm>> -> memref<1x79x128xi32, #tpu.memory_space<hbm>>
      %dma_wait3A_30 = tpu.memref_squeeze %dma_wait3A_29 : memref<1x79x128xi32, #tpu.memory_space<hbm>> -> memref<79x128xi32, #tpu.memory_space<hbm>>
      %dma_wait3A_31 = arith.constant 0 : i32
      %dma_wait3A_32 = arith.constant 0 : i32
      %dma_wait3A_33 = tpu.memref_slice %arg3[%add3A, %dma_wait3A_31, %dma_wait3A_32] : memref<32x79x128xi32, #tpu.memory_space<hbm>> -> memref<1x79x128xi32, #tpu.memory_space<hbm>>
      %dma_wait3A_34 = tpu.memref_squeeze %dma_wait3A_33 : memref<1x79x128xi32, #tpu.memory_space<hbm>> -> memref<79x128xi32, #tpu.memory_space<hbm>>
      tpu.wait_dma2 semaphore(%run_scoped3A : memref<!tpu.dma_semaphore, #tpu.memory_space<semaphore_mem>>) src(%dma_wait3A_34 : memref<79x128xi32, #tpu.memory_space<hbm>>) dst(%arg6 : memref<79x128xi32, #tpu.memory_space<vmem>>)
      tpu.yield
    }) : () -> ()
    "tpu.region"() ({
      %run_scoped3A = tpu.sem_alloc : memref<!tpu.dma_semaphore, #tpu.memory_space<semaphore_mem>>
      %dma_start3A = arith.constant 0 : i32
      %dma_start3A_21 = arith.constant 0 : i32
      %dma_start3A_22 = tpu.memref_slice %arg4[%add3A, %dma_start3A, %dma_start3A_21] : memref<32x79x128xi32, #tpu.memory_space<hbm>> -> memref<1x79x128xi32, #tpu.memory_space<hbm>>
      %dma_start3A_23 = tpu.memref_squeeze %dma_start3A_22 : memref<1x79x128xi32, #tpu.memory_space<hbm>> -> memref<79x128xi32, #tpu.memory_space<hbm>>
      %dma_start3A_24 = arith.constant 0 : i32
      %dma_start3A_25 = arith.constant 0 : i32
      %dma_start3A_26 = tpu.memref_slice %arg4[%add3A, %dma_start3A_24, %dma_start3A_25] : memref<32x79x128xi32, #tpu.memory_space<hbm>> -> memref<1x79x128xi32, #tpu.memory_space<hbm>>
      %dma_start3A_27 = tpu.memref_squeeze %dma_start3A_26 : memref<1x79x128xi32, #tpu.memory_space<hbm>> -> memref<79x128xi32, #tpu.memory_space<hbm>>
      tpu.enqueue_dma source(%dma_start3A_27 : memref<79x128xi32, #tpu.memory_space<hbm>>) target(%arg7 : memref<79x128xi32, #tpu.memory_space<vmem>>) target_semaphore(%run_scoped3A : memref<!tpu.dma_semaphore, #tpu.memory_space<semaphore_mem>>)
      %dma_wait3A = arith.constant 0 : i32
      %dma_wait3A_28 = arith.constant 0 : i32
      %dma_wait3A_29 = tpu.memref_slice %arg4[%add3A, %dma_wait3A, %dma_wait3A_28] : memref<32x79x128xi32, #tpu.memory_space<hbm>> -> memref<1x79x128xi32, #tpu.memory_space<hbm>>
      %dma_wait3A_30 = tpu.memref_squeeze %dma_wait3A_29 : memref<1x79x128xi32, #tpu.memory_space<hbm>> -> memref<79x128xi32, #tpu.memory_space<hbm>>
      %dma_wait3A_31 = arith.constant 0 : i32
      %dma_wait3A_32 = arith.constant 0 : i32
      %dma_wait3A_33 = tpu.memref_slice %arg4[%add3A, %dma_wait3A_31, %dma_wait3A_32] : memref<32x79x128xi32, #tpu.memory_space<hbm>> -> memref<1x79x128xi32, #tpu.memory_space<hbm>>
      %dma_wait3A_34 = tpu.memref_squeeze %dma_wait3A_33 : memref<1x79x128xi32, #tpu.memory_space<hbm>> -> memref<79x128xi32, #tpu.memory_space<hbm>>
      tpu.wait_dma2 semaphore(%run_scoped3A : memref<!tpu.dma_semaphore, #tpu.memory_space<semaphore_mem>>) src(%dma_wait3A_34 : memref<79x128xi32, #tpu.memory_space<hbm>>) dst(%arg7 : memref<79x128xi32, #tpu.memory_space<vmem>>)
      tpu.yield
    }) : () -> ()
    %scan3A_10 = arith.constant 0 : i32
    %scan3A_11 = arith.constant 79 : i32
    %scan3A_12 = arith.addi %scan3A_10, %scan3A_11 : i32
    %scan3A_13 = arith.constant 1 : i32
    scf.for %scan3A_21 = %scan3A_10 to %scan3A_12 step %scan3A_13  : i32 {
      %dma_start3A = arith.constant 0 : i32
      %dma_start3A_22 = tpu.memref_slice %arg6[%scan3A_21, %dma_start3A] : memref<79x128xi32, #tpu.memory_space<vmem>> -> memref<1x128xi32, #tpu.memory_space<vmem>>
      %dma_start3A_23 = tpu.memref_squeeze %dma_start3A_22 : memref<1x128xi32, #tpu.memory_space<vmem>> -> memref<128xi32, #tpu.memory_space<vmem>>
      %dma_start3A_24 = arith.constant 0 : i32
      %dma_start3A_25 = arith.constant 0 : i32
      %dma_start3A_26 = tpu.memref_slice %arg2[%dma_start3A_24, %dma_start3A_25] : memref<10240x128xf32, #tpu.memory_space<hbm>> -> memref<10240x128xf32, #tpu.memory_space<hbm>>
      tpu.enqueue_indirect_dma source(%dma_start3A_26 : memref<10240x128xf32, #tpu.memory_space<hbm>>) target(%arg8 : memref<128x128xf32, #tpu.memory_space<vmem>>) offsets(%dma_start3A_23 : memref<128xi32, #tpu.memory_space<vmem>>) semaphore(%arg10 : memref<!tpu.dma_semaphore, #tpu.memory_space<semaphore_mem>>)
      %dma_wait3A = arith.constant 0 : i32
      %dma_wait3A_27 = tpu.memref_slice %arg6[%scan3A_21, %dma_wait3A] : memref<79x128xi32, #tpu.memory_space<vmem>> -> memref<1x128xi32, #tpu.memory_space<vmem>>
      %dma_wait3A_28 = tpu.memref_squeeze %dma_wait3A_27 : memref<1x128xi32, #tpu.memory_space<vmem>> -> memref<128xi32, #tpu.memory_space<vmem>>
      %dma_wait3A_29 = arith.constant 0 : i32
      %dma_wait3A_30 = arith.constant 0 : i32
      %dma_wait3A_31 = tpu.memref_slice %arg2[%dma_wait3A_29, %dma_wait3A_30] : memref<10240x128xf32, #tpu.memory_space<hbm>> -> memref<10240x128xf32, #tpu.memory_space<hbm>>
      tpu.wait_indirect_dma semaphore(%arg10 : memref<!tpu.dma_semaphore, #tpu.memory_space<semaphore_mem>>) src(%dma_wait3A_31 : memref<10240x128xf32, #tpu.memory_space<hbm>>) dst(%arg8 : memref<128x128xf32, #tpu.memory_space<vmem>>)
      "tpu.region"() ({
        %run_scoped3A = tpu.sem_alloc : memref<!tpu.dma_semaphore, #tpu.memory_space<semaphore_mem>>
        %dma_start3A_32 = arith.constant 0 : i32
        %dma_start3A_33 = tpu.memref_slice %arg7[%scan3A_21, %dma_start3A_32] : memref<79x128xi32, #tpu.memory_space<vmem>> -> memref<1x128xi32, #tpu.memory_space<vmem>>
        %dma_start3A_34 = tpu.memref_squeeze %dma_start3A_33 : memref<1x128xi32, #tpu.memory_space<vmem>> -> memref<128xi32, #tpu.memory_space<vmem>>
        %dma_start3A_35 = arith.constant 0 : i32
        %dma_start3A_36 = arith.constant 0 : i32
        %dma_start3A_37 = tpu.memref_slice %arg9[%dma_start3A_35, %dma_start3A_36] : memref<10240x128xf32, #tpu.memory_space<vmem_shared>> -> memref<10240x128xf32, #tpu.memory_space<vmem_shared>>
        tpu.enqueue_indirect_dma source(%arg8 : memref<128x128xf32, #tpu.memory_space<vmem>>) target(%dma_start3A_37 : memref<10240x128xf32, #tpu.memory_space<vmem_shared>>) offsets(%dma_start3A_34 : memref<128xi32, #tpu.memory_space<vmem>>) semaphore(%run_scoped3A : memref<!tpu.dma_semaphore, #tpu.memory_space<semaphore_mem>>) {add = true}
        %dma_wait3A_38 = arith.constant 0 : i32
        %dma_wait3A_39 = tpu.memref_slice %arg7[%scan3A_21, %dma_wait3A_38] : memref<79x128xi32, #tpu.memory_space<vmem>> -> memref<1x128xi32, #tpu.memory_space<vmem>>
        %dma_wait3A_40 = tpu.memref_squeeze %dma_wait3A_39 : memref<1x128xi32, #tpu.memory_space<vmem>> -> memref<128xi32, #tpu.memory_space<vmem>>
        %dma_wait3A_41 = arith.constant 0 : i32
        %dma_wait3A_42 = arith.constant 0 : i32
        %dma_wait3A_43 = tpu.memref_slice %arg9[%dma_wait3A_41, %dma_wait3A_42] : memref<10240x128xf32, #tpu.memory_space<vmem_shared>> -> memref<10240x128xf32, #tpu.memory_space<vmem_shared>>
        tpu.wait_indirect_dma semaphore(%run_scoped3A : memref<!tpu.dma_semaphore, #tpu.memory_space<semaphore_mem>>) src(%arg8 : memref<128x128xf32, #tpu.memory_space<vmem>>) dst(%dma_wait3A_43 : memref<10240x128xf32, #tpu.memory_space<vmem_shared>>)
        tpu.yield
      }) : () -> ()
    }
    %scan3A_14 = arith.constant 79 : i32
    %barrier3A_15 = arith.constant 0 : index
    tpu.barrier barrier_id(%barrier3A_15)
    %scan3A_16 = arith.constant 0 : i32
    %scan3A_17 = arith.constant 5 : i32
    %scan3A_18 = arith.addi %scan3A_16, %scan3A_17 : i32
    %scan3A_19 = arith.constant 1 : i32
    scf.for %scan3A_21 = %scan3A_16 to %scan3A_18 step %scan3A_19  : i32 {
      %mul3A_22 = arith.constant 640 : i32
      %mul3A_23 = arith.muli %arg1, %mul3A_22 : i32
      %mul3A_24 = arith.constant 128 : i32
      %mul3A_25 = arith.muli %scan3A_21, %mul3A_24 : i32
      %add3A_26 = arith.addi %mul3A_23, %mul3A_25 : i32
      "tpu.region"() ({
        %run_scoped3A = tpu.sem_alloc : memref<!tpu.dma_semaphore, #tpu.memory_space<semaphore_mem>>
        %dma_start3A = arith.constant 0 : i32
        %dma_start3A_30 = tpu.memref_slice %arg9[%add3A_26, %dma_start3A] : memref<10240x128xf32, #tpu.memory_space<vmem_shared>> -> memref<128x128xf32, #tpu.memory_space<vmem_shared>>
        %dma_start3A_31 = arith.constant 0 : i32
        %dma_start3A_32 = tpu.memref_slice %arg9[%add3A_26, %dma_start3A_31] : memref<10240x128xf32, #tpu.memory_space<vmem_shared>> -> memref<128x128xf32, #tpu.memory_space<vmem_shared>>
        tpu.enqueue_dma source(%dma_start3A_32 : memref<128x128xf32, #tpu.memory_space<vmem_shared>>) target(%arg8 : memref<128x128xf32, #tpu.memory_space<vmem>>) target_semaphore(%run_scoped3A : memref<!tpu.dma_semaphore, #tpu.memory_space<semaphore_mem>>)
        %dma_wait3A = arith.constant 0 : i32
        %dma_wait3A_33 = tpu.memref_slice %arg9[%add3A_26, %dma_wait3A] : memref<10240x128xf32, #tpu.memory_space<vmem_shared>> -> memref<128x128xf32, #tpu.memory_space<vmem_shared>>
        %dma_wait3A_34 = arith.constant 0 : i32
        %dma_wait3A_35 = tpu.memref_slice %arg9[%add3A_26, %dma_wait3A_34] : memref<10240x128xf32, #tpu.memory_space<vmem_shared>> -> memref<128x128xf32, #tpu.memory_space<vmem_shared>>
        tpu.wait_dma2 semaphore(%run_scoped3A : memref<!tpu.dma_semaphore, #tpu.memory_space<semaphore_mem>>) src(%dma_wait3A_35 : memref<128x128xf32, #tpu.memory_space<vmem_shared>>) dst(%arg8 : memref<128x128xf32, #tpu.memory_space<vmem>>)
        tpu.yield
      }) : () -> ()
      %mul3A_27 = arith.constant 10240 : i32
      %mul3A_28 = arith.muli %arg0, %mul3A_27 : i32
      %add3A_29 = arith.addi %mul3A_28, %add3A_26 : i32
      "tpu.region"() ({
        %run_scoped3A = tpu.sem_alloc : memref<!tpu.dma_semaphore, #tpu.memory_space<semaphore_mem>>
        %dma_start3A = arith.constant 0 : i32
        %dma_start3A_30 = tpu.memref_slice %arg5[%add3A_29, %dma_start3A] : memref<20480x128xf32, #tpu.memory_space<hbm>> -> memref<128x128xf32, #tpu.memory_space<hbm>>
        %dma_start3A_31 = arith.constant 0 : i32
        %dma_start3A_32 = tpu.memref_slice %arg5[%add3A_29, %dma_start3A_31] : memref<20480x128xf32, #tpu.memory_space<hbm>> -> memref<128x128xf32, #tpu.memory_space<hbm>>
        tpu.enqueue_dma source(%arg8 : memref<128x128xf32, #tpu.memory_space<vmem>>) target(%dma_start3A_32 : memref<128x128xf32, #tpu.memory_space<hbm>>) target_semaphore(%run_scoped3A : memref<!tpu.dma_semaphore, #tpu.memory_space<semaphore_mem>>)
        %dma_wait3A = arith.constant 0 : i32
        %dma_wait3A_33 = tpu.memref_slice %arg5[%add3A_29, %dma_wait3A] : memref<20480x128xf32, #tpu.memory_space<hbm>> -> memref<128x128xf32, #tpu.memory_space<hbm>>
        %dma_wait3A_34 = arith.constant 0 : i32
        %dma_wait3A_35 = tpu.memref_slice %arg5[%add3A_29, %dma_wait3A_34] : memref<20480x128xf32, #tpu.memory_space<hbm>> -> memref<128x128xf32, #tpu.memory_space<hbm>>
        tpu.wait_dma2 semaphore(%run_scoped3A : memref<!tpu.dma_semaphore, #tpu.memory_space<semaphore_mem>>) src(%arg8 : memref<128x128xf32, #tpu.memory_space<vmem>>) dst(%dma_wait3A_35 : memref<128x128xf32, #tpu.memory_space<hbm>>)
        tpu.yield
      }) : () -> ()
    }
    %scan3A_20 = arith.constant 5 : i32
    return
  }
}

module attributes {stable_mosaic.version = 14 : i64} {
  func.func @_prep_body(%arg0: i32, %arg1: memref<1024x2xf32, #tpu.memory_space<vmem>>, %arg2: memref<1024x128xf32, #tpu.memory_space<vmem>>, %arg3: memref<128x128xf32, #tpu.memory_space<vmem>>, %arg4: memref<1024x128xf32, #tpu.memory_space<vmem>>) attributes {dimension_semantics = [#tpu.dimension_semantics<arbitrary>], iteration_bounds = array<i64: 10>, scalar_prefetch = 0 : i64, scratch_operands = 0 : i64, tpu.core_type = #tpu.core_type<tc>, window_params = [{transform_indices = @transform_0, window_bounds = array<i64: 1024, 2>}, {transform_indices = @transform_1, window_bounds = array<i64: 1024, 128>}, {pipeline_mode = #tpu.pipeline_mode<synchronous>, transform_indices = @transform_2, window_bounds = array<i64: 128, 128>}, {transform_indices = @transform_3, window_bounds = array<i64: 1024, 128>}]} {
    %get3A = arith.constant 0 : index
    %get3A_0 = arith.constant 0 : index
    %get3A_1 = vector.load %arg1[%get3A, %get3A_0] : memref<1024x2xf32, #tpu.memory_space<vmem>>, vector<1024x1xf32>
    %get3A_2 = arith.constant 0 : index
    %get3A_3 = arith.constant 1 : index
    %get3A_4 = vector.load %arg1[%get3A_2, %get3A_3] : memref<1024x2xf32, #tpu.memory_space<vmem>>, vector<1024x1xf32>
    %add3A = arith.addf %get3A_1, %get3A_4 : vector<1024x1xf32>
    %add3A_5 = arith.constant 1.000000e+00 : f32
    %add3A_6 = vector.broadcast %add3A_5 : f32 to vector<1024x1xf32>
    %add3A_7 = arith.addf %add3A, %add3A_6 : vector<1024x1xf32>
    %rsqrt3A = math.rsqrt %add3A_7 : vector<1024x1xf32>
    %get3A_8 = arith.constant 0 : index
    %get3A_9 = arith.constant 0 : index
    %get3A_10 = vector.load %arg2[%get3A_8, %get3A_9] : memref<1024x128xf32, #tpu.memory_space<vmem>>, vector<1024x128xf32>
    %get3A_11 = arith.constant 0 : index
    %get3A_12 = arith.constant 0 : index
    %get3A_13 = vector.load %arg3[%get3A_11, %get3A_12] : memref<128x128xf32, #tpu.memory_space<vmem>>, vector<128x128xf32>
    %dot_general3A = arith.constant dense<0.000000e+00> : vector<1024x128xf32>
    %dot_general3A_14 = tpu.matmul %get3A_10, %get3A_13, %dot_general3A {dimension_numbers = #tpu.dot_dimension_numbers<[1], [0], [0], [1], [0, 0, 1, 1], [], []>, transpose_lhs_hint = false} : vector<1024x128xf32>, vector<128x128xf32>, vector<1024x128xf32> -> vector<1024x128xf32>
    %mul3A = vector.broadcast %rsqrt3A : vector<1024x1xf32> to vector<1024x128xf32>
    %mul3A_15 = arith.mulf %dot_general3A_14, %mul3A : vector<1024x128xf32>
    %swap3A = arith.constant 0 : index
    %swap3A_16 = arith.constant 0 : index
    %swap3A_17 = vector.load %arg4[%swap3A, %swap3A_16] : memref<1024x128xf32, #tpu.memory_space<vmem>>, vector<1024x128xf32>
    tpu.vector_store %arg4[%swap3A, %swap3A_16], %mul3A_15 {strides = array<i32>} : memref<1024x128xf32, #tpu.memory_space<vmem>>, vector<1024x128xf32>,
    return
  }
  func.func @transform_0(%arg0: i32) -> (i32, i32) {
    %c0_i32 = arith.constant 0 : i32
    %c0_i32_0 = arith.constant 0 : i32
    return %arg0, %c0_i32 : i32, i32
  }
  func.func @transform_1(%arg0: i32) -> (i32, i32) {
    %c0_i32 = arith.constant 0 : i32
    %c0_i32_0 = arith.constant 0 : i32
    return %arg0, %c0_i32 : i32, i32
  }
  func.func @transform_2(%arg0: i32) -> (i32, i32) {
    %c0_i32 = arith.constant 0 : i32
    %c0_i32_0 = arith.constant 0 : i32
    %c0_i32_1 = arith.constant 0 : i32
    return %c0_i32, %c0_i32_0 : i32, i32
  }
  func.func @transform_3(%arg0: i32) -> (i32, i32) {
    %c0_i32 = arith.constant 0 : i32
    %c0_i32_0 = arith.constant 0 : i32
    return %arg0, %c0_i32 : i32, i32
  }
}

module attributes {stable_mosaic.version = 14 : i64} {
  func.func @_mid_body(%arg0: i32, %arg1: memref<1024x2xf32, #tpu.memory_space<vmem>>, %arg2: memref<2x1024x128xf32, #tpu.memory_space<vmem>>, %arg3: memref<1024x128xf32, #tpu.memory_space<vmem>>, %arg4: memref<1x128xf32, #tpu.memory_space<vmem>>, %arg5: memref<128x128xf32, #tpu.memory_space<vmem>>, %arg6: memref<1024x128xf32, #tpu.memory_space<vmem>>, %arg7: memref<1024x128xf32, #tpu.memory_space<vmem>>) attributes {dimension_semantics = [#tpu.dimension_semantics<arbitrary>], iteration_bounds = array<i64: 10>, scalar_prefetch = 0 : i64, scratch_operands = 0 : i64, tpu.core_type = #tpu.core_type<tc>, window_params = [{transform_indices = @transform_0, window_bounds = array<i64: 1024, 2>}, {transform_indices = @transform_1, window_bounds = array<i64: 2, 1024, 128>}, {transform_indices = @transform_2, window_bounds = array<i64: 1024, 128>}, {pipeline_mode = #tpu.pipeline_mode<synchronous>, transform_indices = @transform_3, window_bounds = array<i64: 1, 128>}, {pipeline_mode = #tpu.pipeline_mode<synchronous>, transform_indices = @transform_4, window_bounds = array<i64: 128, 128>}, {transform_indices = @transform_5, window_bounds = array<i64: 1024, 128>}, {transform_indices = @transform_6, window_bounds = array<i64: 1024, 128>}]} {
    %get3A = arith.constant 0 : index
    %get3A_0 = arith.constant 0 : index
    %get3A_1 = vector.load %arg1[%get3A, %get3A_0] : memref<1024x2xf32, #tpu.memory_space<vmem>>, vector<1024x1xf32>
    %get3A_2 = arith.constant 0 : index
    %get3A_3 = arith.constant 1 : index
    %get3A_4 = vector.load %arg1[%get3A_2, %get3A_3] : memref<1024x2xf32, #tpu.memory_space<vmem>>, vector<1024x1xf32>
    %add3A = arith.addf %get3A_1, %get3A_4 : vector<1024x1xf32>
    %add3A_5 = arith.constant 1.000000e+00 : f32
    %add3A_6 = vector.broadcast %add3A_5 : f32 to vector<1024x1xf32>
    %add3A_7 = arith.addf %add3A, %add3A_6 : vector<1024x1xf32>
    %rsqrt3A = math.rsqrt %add3A_7 : vector<1024x1xf32>
    %get3A_8 = arith.constant 0 : index
    %get3A_9 = arith.constant 0 : index
    %get3A_10 = arith.constant 0 : index
    %get3A_11 = vector.load %arg2[%get3A_8, %get3A_9, %get3A_10] : memref<2x1024x128xf32, #tpu.memory_space<vmem>>, vector<1x1024x128xf32>
    %get3A_12 = vector.shape_cast %get3A_11 : vector<1x1024x128xf32> to vector<1024x128xf32>
    %get3A_13 = arith.constant 1 : index
    %get3A_14 = arith.constant 0 : index
    %get3A_15 = arith.constant 0 : index
    %get3A_16 = vector.load %arg2[%get3A_13, %get3A_14, %get3A_15] : memref<2x1024x128xf32, #tpu.memory_space<vmem>>, vector<1x1024x128xf32>
    %get3A_17 = vector.shape_cast %get3A_16 : vector<1x1024x128xf32> to vector<1024x128xf32>
    %add3A_18 = arith.addf %get3A_12, %get3A_17 : vector<1024x128xf32>
    %get3A_19 = arith.constant 0 : index
    %get3A_20 = arith.constant 0 : index
    %get3A_21 = vector.load %arg3[%get3A_19, %get3A_20] : memref<1024x128xf32, #tpu.memory_space<vmem>>, vector<1024x128xf32>
    %add3A_22 = arith.addf %add3A_18, %get3A_21 : vector<1024x128xf32>
    %mul3A = vector.broadcast %rsqrt3A : vector<1024x1xf32> to vector<1024x128xf32>
    %mul3A_23 = arith.mulf %add3A_22, %mul3A : vector<1024x128xf32>
    %get3A_24 = arith.constant 0 : index
    %get3A_25 = arith.constant 0 : index
    %get3A_26 = vector.load %arg4[%get3A_24, %get3A_25] : memref<1x128xf32, #tpu.memory_space<vmem>>, vector<1x128xf32>
    %add3A_27 = vector.broadcast %get3A_26 : vector<1x128xf32> to vector<1024x128xf32>
    %add3A_28 = arith.addf %mul3A_23, %add3A_27 : vector<1024x128xf32>
    %max3A = arith.constant 0.000000e+00 : f32
    %max3A_29 = vector.broadcast %max3A : f32 to vector<1024x128xf32>
    %max3A_30 = arith.maximumf %add3A_28, %max3A_29 : vector<1024x128xf32>
    %swap3A = arith.constant 0 : index
    %swap3A_31 = arith.constant 0 : index
    %swap3A_32 = vector.load %arg6[%swap3A, %swap3A_31] : memref<1024x128xf32, #tpu.memory_space<vmem>>, vector<1024x128xf32>
    tpu.vector_store %arg6[%swap3A, %swap3A_31], %max3A_30 {strides = array<i32>} : memref<1024x128xf32, #tpu.memory_space<vmem>>, vector<1024x128xf32>,
    %get3A_33 = arith.constant 0 : index
    %get3A_34 = arith.constant 0 : index
    %get3A_35 = vector.load %arg5[%get3A_33, %get3A_34] : memref<128x128xf32, #tpu.memory_space<vmem>>, vector<128x128xf32>
    %dot_general3A = arith.constant dense<0.000000e+00> : vector<1024x128xf32>
    %dot_general3A_36 = tpu.matmul %max3A_30, %get3A_35, %dot_general3A {dimension_numbers = #tpu.dot_dimension_numbers<[1], [0], [0], [1], [0, 0, 1, 1], [], []>, transpose_lhs_hint = false} : vector<1024x128xf32>, vector<128x128xf32>, vector<1024x128xf32> -> vector<1024x128xf32>
    %mul3A_37 = vector.broadcast %rsqrt3A : vector<1024x1xf32> to vector<1024x128xf32>
    %mul3A_38 = arith.mulf %dot_general3A_36, %mul3A_37 : vector<1024x128xf32>
    %swap3A_39 = arith.constant 0 : index
    %swap3A_40 = arith.constant 0 : index
    %swap3A_41 = vector.load %arg7[%swap3A_39, %swap3A_40] : memref<1024x128xf32, #tpu.memory_space<vmem>>, vector<1024x128xf32>
    tpu.vector_store %arg7[%swap3A_39, %swap3A_40], %mul3A_38 {strides = array<i32>} : memref<1024x128xf32, #tpu.memory_space<vmem>>, vector<1024x128xf32>,
    return
  }
  func.func @transform_0(%arg0: i32) -> (i32, i32) {
    %c0_i32 = arith.constant 0 : i32
    %c0_i32_0 = arith.constant 0 : i32
    return %arg0, %c0_i32 : i32, i32
  }
  func.func @transform_1(%arg0: i32) -> (i32, i32, i32) {
    %c0_i32 = arith.constant 0 : i32
    %c0_i32_0 = arith.constant 0 : i32
    %c0_i32_1 = arith.constant 0 : i32
    return %c0_i32, %arg0, %c0_i32_0 : i32, i32, i32
  }
  func.func @transform_2(%arg0: i32) -> (i32, i32) {
    %c0_i32 = arith.constant 0 : i32
    %c0_i32_0 = arith.constant 0 : i32
    return %arg0, %c0_i32 : i32, i32
  }
  func.func @transform_3(%arg0: i32) -> (i32, i32) {
    %c0_i32 = arith.constant 0 : i32
    %c0_i32_0 = arith.constant 0 : i32
    %c0_i32_1 = arith.constant 0 : i32
    return %c0_i32, %c0_i32_0 : i32, i32
  }
  func.func @transform_4(%arg0: i32) -> (i32, i32) {
    %c0_i32 = arith.constant 0 : i32
    %c0_i32_0 = arith.constant 0 : i32
    %c0_i32_1 = arith.constant 0 : i32
    return %c0_i32, %c0_i32_0 : i32, i32
  }
  func.func @transform_5(%arg0: i32) -> (i32, i32) {
    %c0_i32 = arith.constant 0 : i32
    %c0_i32_0 = arith.constant 0 : i32
    return %arg0, %c0_i32 : i32, i32
  }
  func.func @transform_6(%arg0: i32) -> (i32, i32) {
    %c0_i32 = arith.constant 0 : i32
    %c0_i32_0 = arith.constant 0 : i32
    return %arg0, %c0_i32 : i32, i32
  }
}

module attributes {stable_mosaic.version = 14 : i64} {
  func.func @_fin_body(%arg0: i32, %arg1: memref<1024x2xf32, #tpu.memory_space<vmem>>, %arg2: memref<2x1024x128xf32, #tpu.memory_space<vmem>>, %arg3: memref<1024x128xf32, #tpu.memory_space<vmem>>, %arg4: memref<1x128xf32, #tpu.memory_space<vmem>>, %arg5: memref<1024x128xf32, #tpu.memory_space<vmem>>) attributes {dimension_semantics = [#tpu.dimension_semantics<arbitrary>], iteration_bounds = array<i64: 10>, scalar_prefetch = 0 : i64, scratch_operands = 0 : i64, tpu.core_type = #tpu.core_type<tc>, window_params = [{transform_indices = @transform_0, window_bounds = array<i64: 1024, 2>}, {transform_indices = @transform_1, window_bounds = array<i64: 2, 1024, 128>}, {transform_indices = @transform_2, window_bounds = array<i64: 1024, 128>}, {pipeline_mode = #tpu.pipeline_mode<synchronous>, transform_indices = @transform_3, window_bounds = array<i64: 1, 128>}, {transform_indices = @transform_4, window_bounds = array<i64: 1024, 128>}]} {
    %get3A = arith.constant 0 : index
    %get3A_0 = arith.constant 0 : index
    %get3A_1 = vector.load %arg1[%get3A, %get3A_0] : memref<1024x2xf32, #tpu.memory_space<vmem>>, vector<1024x1xf32>
    %get3A_2 = arith.constant 0 : index
    %get3A_3 = arith.constant 1 : index
    %get3A_4 = vector.load %arg1[%get3A_2, %get3A_3] : memref<1024x2xf32, #tpu.memory_space<vmem>>, vector<1024x1xf32>
    %add3A = arith.addf %get3A_1, %get3A_4 : vector<1024x1xf32>
    %add3A_5 = arith.constant 1.000000e+00 : f32
    %add3A_6 = vector.broadcast %add3A_5 : f32 to vector<1024x1xf32>
    %add3A_7 = arith.addf %add3A, %add3A_6 : vector<1024x1xf32>
    %rsqrt3A = math.rsqrt %add3A_7 : vector<1024x1xf32>
    %get3A_8 = arith.constant 0 : index
    %get3A_9 = arith.constant 0 : index
    %get3A_10 = arith.constant 0 : index
    %get3A_11 = vector.load %arg2[%get3A_8, %get3A_9, %get3A_10] : memref<2x1024x128xf32, #tpu.memory_space<vmem>>, vector<1x1024x128xf32>
    %get3A_12 = vector.shape_cast %get3A_11 : vector<1x1024x128xf32> to vector<1024x128xf32>
    %get3A_13 = arith.constant 1 : index
    %get3A_14 = arith.constant 0 : index
    %get3A_15 = arith.constant 0 : index
    %get3A_16 = vector.load %arg2[%get3A_13, %get3A_14, %get3A_15] : memref<2x1024x128xf32, #tpu.memory_space<vmem>>, vector<1x1024x128xf32>
    %get3A_17 = vector.shape_cast %get3A_16 : vector<1x1024x128xf32> to vector<1024x128xf32>
    %add3A_18 = arith.addf %get3A_12, %get3A_17 : vector<1024x128xf32>
    %get3A_19 = arith.constant 0 : index
    %get3A_20 = arith.constant 0 : index
    %get3A_21 = vector.load %arg3[%get3A_19, %get3A_20] : memref<1024x128xf32, #tpu.memory_space<vmem>>, vector<1024x128xf32>
    %add3A_22 = arith.addf %add3A_18, %get3A_21 : vector<1024x128xf32>
    %mul3A = vector.broadcast %rsqrt3A : vector<1024x1xf32> to vector<1024x128xf32>
    %mul3A_23 = arith.mulf %add3A_22, %mul3A : vector<1024x128xf32>
    %get3A_24 = arith.constant 0 : index
    %get3A_25 = arith.constant 0 : index
    %get3A_26 = vector.load %arg4[%get3A_24, %get3A_25] : memref<1x128xf32, #tpu.memory_space<vmem>>, vector<1x128xf32>
    %add3A_27 = vector.broadcast %get3A_26 : vector<1x128xf32> to vector<1024x128xf32>
    %add3A_28 = arith.addf %mul3A_23, %add3A_27 : vector<1024x128xf32>
    %swap3A = arith.constant 0 : index
    %swap3A_29 = arith.constant 0 : index
    %swap3A_30 = vector.load %arg5[%swap3A, %swap3A_29] : memref<1024x128xf32, #tpu.memory_space<vmem>>, vector<1024x128xf32>
    tpu.vector_store %arg5[%swap3A, %swap3A_29], %add3A_28 {strides = array<i32>} : memref<1024x128xf32, #tpu.memory_space<vmem>>, vector<1024x128xf32>,
    return
  }
  func.func @transform_0(%arg0: i32) -> (i32, i32) {
    %c0_i32 = arith.constant 0 : i32
    %c0_i32_0 = arith.constant 0 : i32
    return %arg0, %c0_i32 : i32, i32
  }
  func.func @transform_1(%arg0: i32) -> (i32, i32, i32) {
    %c0_i32 = arith.constant 0 : i32
    %c0_i32_0 = arith.constant 0 : i32
    %c0_i32_1 = arith.constant 0 : i32
    return %c0_i32, %arg0, %c0_i32_0 : i32, i32, i32
  }
  func.func @transform_2(%arg0: i32) -> (i32, i32) {
    %c0_i32 = arith.constant 0 : i32
    %c0_i32_0 = arith.constant 0 : i32
    return %arg0, %c0_i32 : i32, i32
  }
  func.func @transform_3(%arg0: i32) -> (i32, i32) {
    %c0_i32 = arith.constant 0 : i32
    %c0_i32_0 = arith.constant 0 : i32
    %c0_i32_1 = arith.constant 0 : i32
    return %c0_i32, %c0_i32_0 : i32, i32
  }
  func.func @transform_4(%arg0: i32) -> (i32, i32) {
    %c0_i32 = arith.constant 0 : i32
    %c0_i32_0 = arith.constant 0 : i32
    return %arg0, %c0_i32 : i32, i32
  }
}

</mosaic_0001>

<sc_bundles>
// kernel: kernel.10.cloned.1.call-start
scs
__scs_entry_jumppad:
0x0: {  	(pc) =	sbr.rel $0x88, $3  }
0x1: {  	(tag) =	ssettag $0x0;
	lr =	simm.s32 $0x1  }
0x2: {  	[smem:$0x3F99] =	sst lr;
	_ =	strace $0xD0000000  }
0x3: {  	_ = 	snop  }
0x4: {  	_ = 	snop  }
0x5: {  	_ = 	snop  }
0x6: {  	_ = 	snop  }
0x7: {  	_ = 	snop  }
__scs_overlays_trampoline_lowered:
0x8: {  	[smem:$0x3FA8] =	sst s0  }
0x9: {  	[smem:$0x3FA9] =	sst s1  }
0xa: {  	[smem:$0x3FAA] =	sst s2  }
0xb: {  	[smem:$0x3FAB] =	sst s3  }
0xc: {  	[smem:$0x3FAC] =	sst s4  }
0xd: {  	[smem:$0x3FAD] =	sst s5  }
0xe: {  	[smem:$0x3FAE] =	sst s6  }
0xf: {  	[smem:$0x3FAF] =	sst s7  }
0x10: {  	[smem:$0x3FB0] =	sst s8  }
0x11: {  	[smem:$0x3FB1] =	sst s9;
	s0 =	simm.s32 @!p0 $0x0  }
0x12: {  	s1 =	sld [smem:$0x3F97];
	s0 =	simm.s32 @p0 $0x1  }
0x13: {  	[smem:$0x3FB2] =	sst s0;
	s0 =	simm.s32 @!p1 $0x0  }
0x14: {  	s2 =	sld [smem:$0x3F96];
	s0 =	simm.s32 @p1 $0x1  }
0x15: {  	[smem:$0x3FB3] =	sst s0;
	s0 =	simm.s32 @!p2 $0x0  }
0x16: {  	s3 =	sld [smem:$0x3FDB];
	s0 =	simm.s32 @p2 $0x1  }
0x17: {  	s4 =	simm.s32 $0x1BF5;
	[smem:$0x3FB5] =	sst s0  }
0x18: {  	s0 =	sld [smem:$0x3F98];
	_ =	swait.ge [sflag:s4], $0x0  }
0x19: {  	s7 =	sld [smem:$0x3F99]  }
0x1a: {  	s8 =	sadd.s32 $0xFFFFE003, lr  }
0x1b: {  	s9 =	sadd.s32 $0xFFFFFEF7, lr;
	s5 =	simm.s32 $0xFFFFFFFF;
	p2 =	slt.u32 s8, $0xFFFFF086  }
0x1c: {  	p1 =	slt.u32 s9, $0xF7A;
	s5 =	simm.s32 @!p2 $0x0  }
0x1d: {  	s5 =	simm.s32 @p1 $0x1;
	p0 =	seq.s32 s7, s2  }
0x1e: {  	s7 =	smul.u32 @!p0 $0xF7A, s2;
	p2 =	seq.s32 @!p0 s5, $0x0  }
0x1f: {  	s9 =	smul.u32 $0xF7A, s1;
	s8 =	simm.s32 @!p0 $0x1BF5;
	p2 =	por !p2, p0  }
0x20: {  	[sflag:s8] =	ssyncset.s32 @!p0 $0xFFFFF086;
	s6 =	sadd.s32 @!p0 s3, s7;
	s7 =	simm.s32 @!p0 $0x108  }
0x21: {  	s3 =	sadd.s32 s3, s9;
	s6 =	sadd.s32 @!p0 $0x88, s6;
	s7 =	simm.s32 @p2 $0x1082  }
0x22: {  	[simem:s7], [sflag:s8] =	dma.local @!p0 [hbm:s6], $0xF7A  }
0x23: {  	s9 =	sor.u32 $0xD0000000, s2;
	s6 =	simm.s32 $0x108;
	_ =	swait.ge @!p0 [sflag:s8], $0x0  }
0x24: {  	s3 =	sadd.s32 $0x88, s3;
	s6 =	simm.s32 @!p1 $0x1082;
	[sflag:s4] =	ssyncset.s32 $0xFFFFF086  }
0x25: {  	[simem:s6], [sflag:s4] =	dma.local [hbm:s3], $0xF7A  }
0x26: {  	[smem:$0x3F99] =	sst s1;
	(tag) =	ssettag s2;
	_ =	strace s9  }
0x27: {  	s1 =	sld [smem:$0x3FA9]  }
0x28: {  	s2 =	sld [smem:$0x3FAA]  }
0x29: {  	s4 =	sld [smem:$0x3FAC]  }
0x2a: {  	p0 =	seq.s32 s5, $0x0;
	s5 =	sld [smem:$0x3FAD]  }
0x2b: {  	s6 =	sld [smem:$0x3FAE]  }
0x2c: {  	s7 =	sld [smem:$0x3FAF]  }
0x2d: {  	s3 =	simm.s32 $0x108;
	s8 =	sld [smem:$0x3FB0]  }
0x2e: {  	s3 =	simm.s32 @!p0 $0x1082;
	s9 =	sld [smem:$0x3FB1]  }
0x2f: {  	lr =	sadd.s32 s0, s3;
	s0 =	sld [smem:$0x3FA8]  }
0x30: {  	s3 =	sld [smem:$0x3FAB]  }
0x31: {  	[smem:$0x3FB4] =	sst s10  }
0x32: {  	s10 =	sld [smem:$0x3FB2];
	_ =	sdelay $0x3  }
0x33: {  	p0 =	seq.s32 s10, $0x1;
	s10 =	sld [smem:$0x3FB4];
	_ =	sdelay $0x3  }
0x34: {  	[smem:$0x3FB4] =	sst s10  }
0x35: {  	s10 =	sld [smem:$0x3FB3];
	_ =	sdelay $0x3  }
0x36: {  	p1 =	seq.s32 s10, $0x1;
	s10 =	sld [smem:$0x3FB4];
	_ =	sdelay $0x3  }
0x37: {  	[smem:$0x3FB4] =	sst s10  }
0x38: {  	s10 =	sld [smem:$0x3FB5]  }
0x39: {  	_ = 	snop;
	(pc) =	sbr.ind lr, $3  }
0x3a: {  	_ = 	snop  }
0x3b: {  	_ = 	snop  }
0x3c: {  	p2 =	seq.s32 s10, $0x1;
	s10 =	sld [smem:$0x3FB4]  }
0x3d: {  	_ =	shalt  }
0x3e: {  	_ =	shalt  }
0x3f: {  	_ =	shalt  }
0x40: {  	_ =	shalt  }
0x41: {  	_ =	shalt  }
0x42: {  	_ =	shalt  }
0x43: {  	_ =	shalt  }
0x44: {  	_ =	shalt  }
0x45: {  	_ =	shalt  }
0x46: {  	_ =	shalt  }
0x47: {  	_ =	shalt  }
0x48: {  	_ =	shalt  }
0x49: {  	_ =	shalt  }
0x4a: {  	_ =	shalt  }
0x4b: {  	_ =	shalt  }
0x4c: {  	_ =	shalt  }
0x4d: {  	_ =	shalt  }
0x4e: {  	_ =	shalt  }
0x4f: {  	_ =	shalt  }
0x50: {  	_ =	shalt  }
0x51: {  	_ =	shalt  }
0x52: {  	_ =	shalt  }
0x53: {  	_ =	shalt  }
0x54: {  	_ =	shalt  }
0x55: {  	_ =	shalt  }
0x56: {  	_ =	shalt  }
0x57: {  	_ =	shalt  }
0x58: {  	_ =	shalt  }
0x59: {  	_ =	shalt  }
0x5a: {  	_ =	shalt  }
0x5b: {  	_ =	shalt  }
0x5c: {  	_ =	shalt  }
0x5d: {  	_ =	shalt  }
0x5e: {  	_ =	shalt  }
0x5f: {  	_ =	shalt  }
0x60: {  	_ =	shalt  }
0x61: {  	_ =	shalt  }
0x62: {  	_ =	shalt  }
0x63: {  	_ =	shalt  }
0x64: {  	_ =	shalt  }
0x65: {  	_ =	shalt  }
0x66: {  	_ =	shalt  }
0x67: {  	_ =	shalt  }
0x68: {  	_ =	shalt  }
0x69: {  	_ =	shalt  }
0x6a: {  	_ =	shalt  }
0x6b: {  	_ =	shalt  }
0x6c: {  	_ =	shalt  }
0x6d: {  	_ =	shalt  }
0x6e: {  	_ =	shalt  }
0x6f: {  	_ =	shalt  }
0x70: {  	_ =	shalt  }
0x71: {  	_ =	shalt  }
0x72: {  	_ =	shalt  }
0x73: {  	_ =	shalt  }
0x74: {  	_ =	shalt  }
0x75: {  	_ =	shalt  }
0x76: {  	_ =	shalt  }
0x77: {  	_ =	shalt  }
0x78: {  	_ =	shalt  }
0x79: {  	_ =	shalt  }
0x7a: {  	_ =	shalt  }
0x7b: {  	_ =	shalt  }
0x7c: {  	_ =	shalt  }
0x7d: {  	_ =	shalt  }
0x7e: {  	_ =	shalt  }
0x7f: {  	_ =	shalt  }
0x80: {  	_ =	shalt  }
0x81: {  	_ =	shalt  }
0x82: {  	_ =	shalt  }
0x83: {  	_ =	shalt  }
0x84: {  	_ =	shalt  }
0x85: {  	_ =	shalt  }
0x86: {  	_ =	shalt  }
0x87: {  	_ =	shalt  }
.Lfunc_end0:
.L_simem_size_0:
called_computation_lowered:
.L_overlay_start_0:
0x88: {  	s2 =	sld [smem:$0x3FD9]  }
0x89: {  	s3 =	sld [smem:$0x3FFE];
	_ =	sdelay $0x1  }
0x8a: {  	s1 =	srdreg.scid  }
0x8b: {  	s0 =	sand.u32 $0x1, s1  }
0x8c: {  	s14 =	sshll.u32 s0, $0xA;
	s2 =	sadd.s32 s3, s2  }
0x8d: {  	s2 =	sadd.s32 s2, s14  }
0x8e: {  	[smem:$0x3FC0] =	sst s2  }
0x8f: {  	_ = 	snop  }
0x90: {  	s2 =	sld [smem:$0x3FD0];
	_ =	sdelay $0x2  }
0x91: {  	s15 =	simm.s32 $0xA;
	s4 =	simm.s32 $0x10  }
0x92: {  	[smem:s4], [sflag:s15] =	dma.local [hbm:s2], $0x1  }
0x93: {  	_ =	swait.eq [sflag:s15], $0x1  }
0x94: {  	[sflag:s15] =	ssyncset.done $0x0  }
0x95: {  	[sflag:s15] =	ssyncadd.s32 $0xFFFFFFFF  }
0x96: {  	s16 =	sld [smem:$0x10];
	(tm) =	ssettm $0x1  }
0x97: {  	s17 =	sld [smem:$0x3FFB];
	_ =	sdelay $0x3  }
0x98: {  	_ =	strace s17  }
0x99: {  	s3 =	sld [smem:$0x3FFC];
	_ =	sdelay $0x3  }
0x9a: {  	_ =	strace s3  }
0x9b: {  	s3 =	sld [smem:$0x3FFD];
	_ =	sdelay $0x3  }
0x9c: {  	_ =	strace s3  }
0x9d: {  	_ =	strace $0x8FFFFFFF  }
0x9e: {  	s18 =	sld [smem:$0x3FDB];
	_ =	sdelay $0x1  }
0x9f: {  	s19 =	simm.s32 $_scs_section_size  }
0xa0: {  	s5 =	simm.s32 $_size__tile_overlayer_lowered;
	s6 =	simm.s32 $_tile_overlayer_lowered  }
0xa1: {  	s22 =	simm.s32 $0x1BFF;
	s21 =	sshll.u32 s6, $0x1;
	s3 =	sadd.s32 s19, s18  }
0xa2: {  	s7 =	simm.s32 $0x0;
	s20 =	sshll.u32 s5, $0x1;
	s5 =	sadd.s32 s21, s3  }
0xa3: {  	[timem:s7], [sflag:s22] =	dma.local [hbm:s5], s20  }
0xa4: {  	_ =	swait.ge [sflag:s22], s20  }
0xa5: {  	s4 =	ssub.s32 $0x0, s20;
	[sflag:s22] =	ssyncset.done $0x0  }
0xa6: {  	[sflag:s22] =	ssyncadd.s32 s4;
	_ =	sdelay $0x1  }
0xa7: {  	s23 =	simm.s32 $0x1B8B  }
0xa8: {  	_ =	swait.ge [sflag:s23], $0x1  }
0xa9: {  	[sflag:s23] =	ssyncset.done $0x0  }
0xaa: {  	s25 =	simm.s32 $0x1B8E;
	s24 =	sld [smem:$0x3FFE];
	[sflag:s23] =	ssyncadd.s32 $0xFFFFFFFF  }
0xab: {  	s26 =	simm.s32 $execute0_lowered;
	[smem:$0x3FD2] =	sst s25  }
0xac: {  	s5 =	sshll.u32 s26, $0x1;
	_ =	strace $0x80000046;
	[dreg:$0x1] =	wrdreg $0xFFFFFFFF  }
0xad: {  	s28 =	simm.s32 $_size_execute0_lowered;
	s3 =	sadd.s32 s3, s5;
	[dreg:$0x0] =	wrdreg $0x0  }
0xae: {  	s5 =	sshll.u32 s28, $0x1;
	[dreg:$0x2] =	wrdreg s3  }
0xaf: {  	[dreg:$0x3] =	wrdreg s5  }
0xb0: {  	[dreg:$0x4] =	wrdreg $0xC0  }
0xb1: {  	_ =	task [dreg:s7], $0x5FFFF  }
0xb2: {  	[dreg:$0x1] =	wrdreg $0xFFFFFFFF  }
0xb3: {  	[dreg:$0x0] =	wrdreg $0x60  }
0xb4: {  	[dreg:$0x2] =	wrdreg s24  }
0xb5: {  	[dreg:$0x3] =	wrdreg s16  }
0xb6: {  	[dreg:$0x4] =	wrdreg $0x90000  }
0xb7: {  	[dreg:$0x5] =	wrdreg $0x9  }
0xb8: {  	_ =	task.clear_ibuf [dreg:s7], $0x6FFFF;
	_ =	strace $0x90000046  }
0xb9: {  	s29 =	simm.s32 $0x9;
	_ =	strace $0x80000048  }
0xba: {  	_ =	swait.ge [sflag:s29], $0x1  }
0xbb: {  	[sflag:s29] =	ssyncadd.s32 $0xFFFFFFFF  }
0xbc: {  	_ =	strace $0x90000048  }
0xbd: {  	_ =	sfence  }
0xbe: {  	s30 =	sld [smem:$0x0];
	_ =	sdelay $0x2  }
0xbf: {  	s31 =	sshll.u32 s1, $0xD;
	s1 =	sshrl.u32 s1, $0x2  }
0xc0: {  	s3 =	sand.u32 $0x4000, s31;
	s1 =	sadd.s32 s1, s30  }
0xc1: {  	s0 =	sor.u32 s3, s0;
	s1 =	sshll.u32 s1, $0x11  }
0xc2: {  	s0 =	sor.u32 s1, s0  }
0xc3: {  	s0 =	sadd.s32 $0x8F2B, s0  }
0xc4: {  	[sflag:s0] =	ssyncadd.remote.s32 $0x1  }
0xc5: {  	_ =	sfence.sel $0xFFFF  }
0xc6: {  	[dreg:$0x0] =	wrdreg $0xFFFFFFFF;
	(pc) =	sbr.abs _section_cstart, $3  }
0xc7: {  	[dreg:$0x1] =	wrdreg $0xFFFFFFFF  }
0xc8: {  	_ =	task.clear_ibuf [dreg:s7], $0x2FFFF;
	_ =	strace $0x9FFFFFFF  }
0xc9: {  	(tm) =	ssettm $0x7FFFFFFF  }
tec
execute0_lowered:
.L_overlay_start_1:
0x0: {  	(tag) =	ssettag $0x1  }
0x1: {  	s5 =	rddreg [dreg:$0x0]  }
0x2: {  	s6 =	rddreg [dreg:$0x1]  }
0x3: {  	s1 =	rddreg [dreg:$0x2]  }
0x4: {  	s2 =	srdreg.scid;
	s3 =	simm.s32 $0x0;
	s28 =	simm.s32 $0x0  }
0x5: {  	s7 =	sand.u32 $0x1, s2;
	s2 =	stileid.u32;
	[smem:$0x7FF] =	sst s3  }
0x6: {  	s21 =	sadd.s32 $0x35200, s5;
	s4 =	sshll.u32 s7, $0x4;
	s10 =	smul.u32 $0x50000, s2  }
0x7: {  	_ =	strace $0x80000047;
	s9 =	ssub.s32 $0x2, s7;
	s18 =	smul.u32 $0x280, s2  }
0x8: {  	s19 =	smul.u32 $0x2800, s7;
	s4 =	sor.u32 s2, s4;
	s22 =	sshrl.u32 s9, $0x1  }
0x9: {  	s8 =	smul.u32 $0x500, s4;
	s4 =	sadd.s32 $0xD200, s5;
	s9 =	ssub.s32 s9, s22  }
0xa: {  	s23 =	sshrl.u32 s10, $0x2;
	s13 =	sadd.s32 s19, s18;
	s14 =	sadd.s32 $0x80, s18  }
0xb: {  	s25 =	sadd.s32 $0x100, s18;
	s29 =	sadd.s32 $0x180, s18;
	s13 =	sshll.u32 s13, $0x4  }
0xc: {  	s15 =	sshll.u32 s14, $0x7;
	s16 =	sadd.s32 s19, s14;
	s17 =	sshll.u32 s25, $0x7  }
0xd: {  	s20 =	sadd.s32 s19, s25;
	s22 =	sshll.u32 s29, $0x7;
	s25 =	simm.s32 $0x80  }
0xe: {  	s11 =	sadd.s32 s8, s5;
	s5 =	sadd.s32 s23, s1;
	s6 =	sadd.s32 s6, s8  }
0xf: {  	s8 =	smax.u32 s9, $0x1;
	s13 =	sadd.s32 s21, s13;
	s14 =	sadd.s32 s15, s1  }
0x10: {  	s24 =	sshll.u32 s16, $0x4;
	s16 =	sadd.s32 s17, s1;
	s26 =	sshll.u32 s20, $0x4  }
0x11: {  	s23 =	sadd.s32 $0x200, s18;
	s18 =	sadd.s32 s22, s1;
	s20 =	sadd.s32 s19, s29  }
0x12: {  	s22 =	simm.s32 $0x5000;
	s7 =	sadd.s32 $0x3200, s11;
	s9 =	sadd.s32 $0x4000, s5  }
0x13: {  	s10 =	sadd.s32 $0x8000, s5;
	s11 =	sadd.s32 $0xC000, s5;
	s12 =	sadd.s32 $0x10000, s5  }
0x14: {  	s15 =	sadd.s32 s21, s24;
	s17 =	sadd.s32 s21, s26;
	s19 =	sadd.s32 s19, s23  }
0x15: {  	s20 =	sshll.u32 s20, $0x4;
	s30 =	sshll.u32 s23, $0x7;
	s23 =	simm.s32 $0x2  }
0x16: {  	s24 =	simm.s32 $0x2800;
	s26 =	simm.s32 $0x1;
	s31 =	sshll.u32 s19, $0x4  }
0x17: {  	v0 =	vimm.f32 $0.0e+00;
	s19 =	sadd.s32 s21, s20;
	s20 =	sadd.s32 s30, s1;
	s21 =	sadd.s32 s21, s31  }
.LBB2_1:
0x18: {  	s29 =	simm.s32 $0x0;
	s30 =	simm.s32 $0x200  }
.LBB2_2:
0x19: {  	p0 =	sne.s32 s30, $0xFE00;
	[tilespmem:s29+$0x5070] =	vst v0  }
0x1a: {  	[tilespmem:s29+$0x5000] =	vst v0  }
0x1b: {  	[tilespmem:s29+$0x5010] =	vst v0  }
.Ltmp0:
0x1c: {  	[tilespmem:s29+$0x5020] =	vst v0;
	(pc) =	sbr.rel @p0 .LBB2_2-.Ltmp0, $4  }
0x1d: {  	[tilespmem:s29+$0x5030] =	vst v0  }
0x1e: {  	[tilespmem:s29+$0x5040] =	vst v0  }
0x1f: {  	[tilespmem:s29+$0x5050] =	vst v0  }
0x20: {  	[tilespmem:s29+$0x5060] =	vst v0;
	s29 =	sshra.s32 s30, $0x2;
	s30 =	sadd.s32 $0x200, s30  }
0x21: {  	[tilespmem:s29+$0x5070] =	vst v0  }
0x22: {  	[tilespmem:s29+$0x5000] =	vst v0  }
0x23: {  	[tilespmem:s29+$0x5010] =	vst v0  }
0x24: {  	[tilespmem:s29+$0x5020] =	vst v0  }
0x25: {  	[tilespmem:s29+$0x5030] =	vst v0  }
0x26: {  	[tilespmem:s29+$0x5040] =	vst v0  }
0x27: {  	[tilespmem:s29+$0x5050] =	vst v0  }
0x28: {  	[tilespmem:s29+$0x5060] =	vst v0  }
0x29: {  	[spmem:s5] =	stream.linear.scatter [tilespmem:s22], [sflag:$0x2], $0x4000, $0x38;
	[tilespmem:$0x1D000] =	vst v63  }
0x2a: {  	_ =	swait.ge [sflag:s23], $0x4000  }
0x2b: {  	[sflag:s23] =	ssyncset.done $0x0  }
0x2c: {  	[sflag:s23] =	ssyncadd.s32 $0xFFFFC000  }
0x2d: {  	[spmem:s9] =	stream.linear.scatter [tilespmem:s22], [sflag:$0x2], $0x4000, $0x38;
	[tilespmem:$0x1D000] =	vst v63  }
0x2e: {  	_ =	swait.ge [sflag:s23], $0x4000  }
0x2f: {  	[sflag:s23] =	ssyncset.done $0x0  }
0x30: {  	[sflag:s23] =	ssyncadd.s32 $0xFFFFC000  }
0x31: {  	[spmem:s10] =	stream.linear.scatter [tilespmem:s22], [sflag:$0x2], $0x4000, $0x38;
	[tilespmem:$0x1D000] =	vst v63  }
0x32: {  	_ =	swait.ge [sflag:s23], $0x4000  }
0x33: {  	[sflag:s23] =	ssyncset.done $0x0  }
0x34: {  	[sflag:s23] =	ssyncadd.s32 $0xFFFFC000  }
0x35: {  	[spmem:s11] =	stream.linear.scatter [tilespmem:s22], [sflag:$0x2], $0x4000, $0x38;
	[tilespmem:$0x1D000] =	vst v63  }
0x36: {  	_ =	swait.ge [sflag:s23], $0x4000  }
0x37: {  	[sflag:s23] =	ssyncset.done $0x0  }
0x38: {  	[sflag:s23] =	ssyncadd.s32 $0xFFFFC000  }
0x39: {  	[spmem:s12] =	stream.linear.scatter [tilespmem:s22], [sflag:$0x2], $0x4000, $0x38;
	[tilespmem:$0x1D000] =	vst v63  }
0x3a: {  	_ =	swait.ge [sflag:s23], $0x4000  }
0x3b: {  	[sflag:s23] =	ssyncset.done $0x0  }
0x3c: {  	[sflag:s23] =	ssyncadd.s32 $0xFFFFC000  }
0x3d: {  	s29 =	simm.s32 $0x0;
	[bflag:$0x0] =	sbarrier.arrive $0xFFFF  }
0x3e: {  	[tilespmem:s29], [sflag:$0x2] =	stream.linear.gather [hbm4b:s6+s29], $0x2780, $0x38;
	[tilespmem:$0x1D000] =	vst v63  }
0x3f: {  	_ =	swait.ge [sflag:s23], $0x2780  }
0x40: {  	[sflag:s23] =	ssyncset.done $0x0  }
0x41: {  	[sflag:s23] =	ssyncadd.s32 $0xFFFFD880  }
0x42: {  	[tilespmem:s24], [sflag:$0x2] =	stream.linear.gather [hbm4b:s7+s29], $0x2780, $0x38;
	[tilespmem:$0x1D000] =	vst v63  }
0x43: {  	_ =	swait.ge [sflag:s23], $0x2780  }
0x44: {  	[sflag:s23] =	ssyncset.done $0x0  }
0x45: {  	s29 =	simm.s32 $0x0;
	[sflag:s23] =	ssyncadd.s32 $0xFFFFD880  }
0x46: {  	[tilespmem:s22], [sflag:$0x1] =	stream.indirect.gather [hbm4b:s4+s25], $0x80, s29, s25, $0xb8;
	[tilespmem:$0x1D000] =	vst v63  }
0x47: {  	_ =	swait.ge [sflag:s26], $0x4000  }
0x48: {  	[sflag:s26] =	ssyncset.done $0x0  }
0x49: {  	s29 =	simm.s32 $0x2800;
	[sflag:s26] =	ssyncadd.s32 $0xFFFFC000  }
0x4a: {  	[spmem:s1] =	stream.indirect.scatter.add.f32 [tilespmem:s22], [sflag:$0x2], $0x80, s29, s25, $0xb8;
	[tilespmem:$0x1D000] =	vst v63  }
0x4b: {  	_ =	swait.ge [sflag:s23], $0x4000  }
0x4c: {  	s30 =	simm.s32 $0x400;
	s29 =	simm.s32 $0x200;
	[sflag:s23] =	ssyncset.done $0x0  }
.LBB2_4:
0x4d: {  	s31 =	sshra.s32 s29, $0x2  }
0x4e: {  	[sflag:s23] =	ssyncadd.s32 $0xFFFFC000;
	s29 =	smov.u32 s30;
	s0 =	sadd.s32 $0x200, s30  }
0x4f: {  	[tilespmem:s22], [sflag:$0x1] =	stream.indirect.gather [hbm4b:s4+s25], $0x80, s31, s25, $0xb8;
	[tilespmem:$0x1D000] =	vst v63  }
0x50: {  	p0 =	sne.s32 s30, $0x9C00;
	_ =	swait.ge [sflag:s26], $0x4000  }
.Ltmp1:
0x51: {  	[sflag:s26] =	ssyncset.done $0x0;
	(pc) =	sbr.rel @p0 .LBB2_4-.Ltmp1, $4  }
0x52: {  	s30 =	sadd.s32 $0x2800, s31;
	[sflag:s26] =	ssyncadd.s32 $0xFFFFC000  }
0x53: {  	[spmem:s1] =	stream.indirect.scatter.add.f32 [tilespmem:s22], [sflag:$0x2], $0x80, s30, s25, $0xb8;
	[tilespmem:$0x1D000] =	vst v63  }
0x54: {  	_ =	swait.ge [sflag:s23], $0x4000  }
0x55: {  	s30 =	smov.u32 s0;
	[sflag:s23] =	ssyncset.done $0x0  }
0x56: {  	s0 =	sshra.s32 s29, $0x2;
	[sflag:s23] =	ssyncadd.s32 $0xFFFFC000  }
0x57: {  	[tilespmem:s22], [sflag:$0x1] =	stream.indirect.gather [hbm4b:s4+s25], $0x80, s0, s25, $0xb8;
	[tilespmem:$0x1D000] =	vst v63  }
0x58: {  	_ =	swait.ge [sflag:s26], $0x4000  }
0x59: {  	[sflag:s26] =	ssyncset.done $0x0  }
0x5a: {  	s0 =	sadd.s32 $0x2800, s0;
	[sflag:s26] =	ssyncadd.s32 $0xFFFFC000  }
0x5b: {  	[spmem:s1] =	stream.indirect.scatter.add.f32 [tilespmem:s22], [sflag:$0x2], $0x80, s0, s25, $0xb8;
	[tilespmem:$0x1D000] =	vst v63  }
0x5c: {  	_ =	swait.ge [sflag:s23], $0x4000  }
0x5d: {  	[sflag:s23] =	ssyncset.done $0x0  }
0x5e: {  	[sflag:s23] =	ssyncadd.s32 $0xFFFFC000  }
0x5f: {  	[bflag:$0x0] =	sbarrier.arrive $0xFFFF  }
0x60: {  	[tilespmem:s22], [sflag:$0x2] =	stream.linear.gather [spmem:s5], $0x4000, $0x38;
	[tilespmem:$0x1D000] =	vst v63  }
0x61: {  	_ =	swait.ge [sflag:s23], $0x4000  }
0x62: {  	[sflag:s23] =	ssyncset.done $0x0  }
0x63: {  	[sflag:s23] =	ssyncadd.s32 $0xFFFFC000  }
0x64: {  	[hbm4b:s13+s3] =	stream.linear.scatter [tilespmem:s22], [sflag:$0x2], $0x4000, $0x38;
	[tilespmem:$0x1D000] =	vst v63  }
0x65: {  	_ =	swait.ge [sflag:s23], $0x4000  }
0x66: {  	[sflag:s23] =	ssyncset.done $0x0  }
0x67: {  	[sflag:s23] =	ssyncadd.s32 $0xFFFFC000  }
0x68: {  	[tilespmem:s22], [sflag:$0x2] =	stream.linear.gather [spmem:s14], $0x4000, $0x38;
	[tilespmem:$0x1D000] =	vst v63  }
0x69: {  	_ =	swait.ge [sflag:s23], $0x4000  }
0x6a: {  	[sflag:s23] =	ssyncset.done $0x0  }
0x6b: {  	[sflag:s23] =	ssyncadd.s32 $0xFFFFC000  }
0x6c: {  	[hbm4b:s15+s3] =	stream.linear.scatter [tilespmem:s22], [sflag:$0x2], $0x4000, $0x38;
	[tilespmem:$0x1D000] =	vst v63  }
0x6d: {  	_ =	swait.ge [sflag:s23], $0x4000  }
0x6e: {  	[sflag:s23] =	ssyncset.done $0x0  }
0x6f: {  	[sflag:s23] =	ssyncadd.s32 $0xFFFFC000  }
0x70: {  	[tilespmem:s22], [sflag:$0x2] =	stream.linear.gather [spmem:s16], $0x4000, $0x38;
	[tilespmem:$0x1D000] =	vst v63  }
0x71: {  	_ =	swait.ge [sflag:s23], $0x4000  }
0x72: {  	[sflag:s23] =	ssyncset.done $0x0  }
0x73: {  	[sflag:s23] =	ssyncadd.s32 $0xFFFFC000  }
0x74: {  	[hbm4b:s17+s3] =	stream.linear.scatter [tilespmem:s22], [sflag:$0x2], $0x4000, $0x38;
	[tilespmem:$0x1D000] =	vst v63  }
0x75: {  	_ =	swait.ge [sflag:s23], $0x4000  }
0x76: {  	[sflag:s23] =	ssyncset.done $0x0  }
0x77: {  	[sflag:s23] =	ssyncadd.s32 $0xFFFFC000  }
0x78: {  	[tilespmem:s22], [sflag:$0x2] =	stream.linear.gather [spmem:s18], $0x4000, $0x38;
	[tilespmem:$0x1D000] =	vst v63  }
0x79: {  	_ =	swait.ge [sflag:s23], $0x4000  }
0x7a: {  	[sflag:s23] =	ssyncset.done $0x0  }
0x7b: {  	[sflag:s23] =	ssyncadd.s32 $0xFFFFC000  }
0x7c: {  	[hbm4b:s19+s3] =	stream.linear.scatter [tilespmem:s22], [sflag:$0x2], $0x4000, $0x38;
	[tilespmem:$0x1D000] =	vst v63  }
0x7d: {  	_ =	swait.ge [sflag:s23], $0x4000  }
0x7e: {  	[sflag:s23] =	ssyncset.done $0x0  }
0x7f: {  	[sflag:s23] =	ssyncadd.s32 $0xFFFFC000  }
0x80: {  	[tilespmem:s22], [sflag:$0x2] =	stream.linear.gather [spmem:s20], $0x4000, $0x38;
	[tilespmem:$0x1D000] =	vst v63  }
0x81: {  	s28 =	sadd.s32 $0x1, s28;
	_ =	swait.ge [sflag:s23], $0x4000  }
0x82: {  	p0 =	sne.s32 s28, s8;
	[sflag:s23] =	ssyncset.done $0x0  }
.Ltmp2:
0x83: {  	[sflag:s23] =	ssyncadd.s32 $0xFFFFC000;
	(pc) =	sbr.rel @p0 .LBB2_1-.Ltmp2, $4  }
0x84: {  	[hbm4b:s21+s3] =	stream.linear.scatter [tilespmem:s22], [sflag:$0x2], $0x4000, $0x38;
	[tilespmem:$0x1D000] =	vst v63  }
0x85: {  	_ =	swait.ge [sflag:s23], $0x4000  }
0x86: {  	[sflag:s23] =	ssyncset.done $0x0  }
0x87: {  	[sflag:s23] =	ssyncadd.s32 $0xFFFFC000  }
0x88: {  	_ =	sfence.sel $0x180000  }
0x89: {  	[bflag:$0x0] =	sbarrier.arrive $0xFFFF  }
0x8a: {  	_ =	strace $0x90000047  }
0x8b: {  	[bflag:$0x2] =	sbarrier.arrive $0xFFFF  }
0x8c: {  	p0 =	sne.s32 s2, $0x0;
	s0 =	rddreg [dreg:$0x3]  }
0x8d: {  	s0 =	sadd.s32 @!p0 $0x100000, s0  }
0x8e: {  	[sflag:s0] =	ssyncadd.tile.s32 @!p0 $0x1;
	_ =	shalt  }
.Lfunc_end2:
_tile_overlayer_lowered:
.L_overlay_start_2:
0x8f: {  	(tag) =	ssettag $0x2  }
0x90: {  	s0 =	rddreg [dreg:$0x0];
	s2 =	stileid.u32  }
0x91: {  	s1 =	rddreg [dreg:$0x1];
	p0 =	sne.s32 s2, $0x0  }
0x92: {  	s3 =	rddreg [dreg:$0x2];
	[bflag:$0x3] =	sbarrier.arrive $0xFFFF;
	s2 =	simm.s32 @!p0 $0x1C02  }
0x93: {  	[timem:s3], [sflag:s2] =	dma.local @!p0 [hbm:s0], s1  }
0x94: {  	s0 =	simm.s32 @!p0 $0x2  }
0x95: {  	_ =	swait.ge @!p0 [sflag:s0], s1  }
0x96: {  	s1 =	ssub.s32 @!p0 $0x0, s1;
	[sflag:s0] =	ssyncset.done @!p0 $0x0  }
0x97: {  	[sflag:s0] =	ssyncadd.s32 @!p0 s1  }
0x98: {  	[bflag:$0x3] =	sbarrier.arrive $0xFFFF  }
0x99: {  	_ =	shalt  }

// kernel: kernel.13.cloned.1.call-start
scs
__scs_entry_jumppad:
0x0: {  	(pc) =	sbr.rel $0x88, $3  }
0x1: {  	(tag) =	ssettag $0x0;
	lr =	simm.s32 $0x1  }
0x2: {  	[smem:$0x3F99] =	sst lr;
	_ =	strace $0xD0000000  }
0x3: {  	_ = 	snop  }
0x4: {  	_ = 	snop  }
0x5: {  	_ = 	snop  }
0x6: {  	_ = 	snop  }
0x7: {  	_ = 	snop  }
__scs_overlays_trampoline_lowered:
0x8: {  	[smem:$0x3FA8] =	sst s0  }
0x9: {  	[smem:$0x3FA9] =	sst s1  }
0xa: {  	[smem:$0x3FAA] =	sst s2  }
0xb: {  	[smem:$0x3FAB] =	sst s3  }
0xc: {  	[smem:$0x3FAC] =	sst s4  }
0xd: {  	[smem:$0x3FAD] =	sst s5  }
0xe: {  	[smem:$0x3FAE] =	sst s6  }
0xf: {  	[smem:$0x3FAF] =	sst s7  }
0x10: {  	[smem:$0x3FB0] =	sst s8  }
0x11: {  	[smem:$0x3FB1] =	sst s9;
	s0 =	simm.s32 @!p0 $0x0  }
0x12: {  	s1 =	sld [smem:$0x3F97];
	s0 =	simm.s32 @p0 $0x1  }
0x13: {  	[smem:$0x3FB2] =	sst s0;
	s0 =	simm.s32 @!p1 $0x0  }
0x14: {  	s2 =	sld [smem:$0x3F96];
	s0 =	simm.s32 @p1 $0x1  }
0x15: {  	[smem:$0x3FB3] =	sst s0;
	s0 =	simm.s32 @!p2 $0x0  }
0x16: {  	s3 =	sld [smem:$0x3FDB];
	s0 =	simm.s32 @p2 $0x1  }
0x17: {  	s4 =	simm.s32 $0x1BF5;
	[smem:$0x3FB5] =	sst s0  }
0x18: {  	s0 =	sld [smem:$0x3F98];
	_ =	swait.ge [sflag:s4], $0x0  }
0x19: {  	s7 =	sld [smem:$0x3F99]  }
0x1a: {  	s8 =	sadd.s32 $0xFFFFE003, lr  }
0x1b: {  	s9 =	sadd.s32 $0xFFFFFEF7, lr;
	s5 =	simm.s32 $0xFFFFFFFF;
	p2 =	slt.u32 s8, $0xFFFFF086  }
0x1c: {  	p1 =	slt.u32 s9, $0xF7A;
	s5 =	simm.s32 @!p2 $0x0  }
0x1d: {  	s5 =	simm.s32 @p1 $0x1;
	p0 =	seq.s32 s7, s2  }
0x1e: {  	s7 =	smul.u32 @!p0 $0xF7A, s2;
	p2 =	seq.s32 @!p0 s5, $0x0  }
0x1f: {  	s9 =	smul.u32 $0xF7A, s1;
	s8 =	simm.s32 @!p0 $0x1BF5;
	p2 =	por !p2, p0  }
0x20: {  	[sflag:s8] =	ssyncset.s32 @!p0 $0xFFFFF086;
	s6 =	sadd.s32 @!p0 s3, s7;
	s7 =	simm.s32 @!p0 $0x108  }
0x21: {  	s3 =	sadd.s32 s3, s9;
	s6 =	sadd.s32 @!p0 $0x88, s6;
	s7 =	simm.s32 @p2 $0x1082  }
0x22: {  	[simem:s7], [sflag:s8] =	dma.local @!p0 [hbm:s6], $0xF7A  }
0x23: {  	s9 =	sor.u32 $0xD0000000, s2;
	s6 =	simm.s32 $0x108;
	_ =	swait.ge @!p0 [sflag:s8], $0x0  }
0x24: {  	s3 =	sadd.s32 $0x88, s3;
	s6 =	simm.s32 @!p1 $0x1082;
	[sflag:s4] =	ssyncset.s32 $0xFFFFF086  }
0x25: {  	[simem:s6], [sflag:s4] =	dma.local [hbm:s3], $0xF7A  }
0x26: {  	[smem:$0x3F99] =	sst s1;
	(tag) =	ssettag s2;
	_ =	strace s9  }
0x27: {  	s1 =	sld [smem:$0x3FA9]  }
0x28: {  	s2 =	sld [smem:$0x3FAA]  }
0x29: {  	s4 =	sld [smem:$0x3FAC]  }
0x2a: {  	p0 =	seq.s32 s5, $0x0;
	s5 =	sld [smem:$0x3FAD]  }
0x2b: {  	s6 =	sld [smem:$0x3FAE]  }
0x2c: {  	s7 =	sld [smem:$0x3FAF]  }
0x2d: {  	s3 =	simm.s32 $0x108;
	s8 =	sld [smem:$0x3FB0]  }
0x2e: {  	s3 =	simm.s32 @!p0 $0x1082;
	s9 =	sld [smem:$0x3FB1]  }
0x2f: {  	lr =	sadd.s32 s0, s3;
	s0 =	sld [smem:$0x3FA8]  }
0x30: {  	s3 =	sld [smem:$0x3FAB]  }
0x31: {  	[smem:$0x3FB4] =	sst s10  }
0x32: {  	s10 =	sld [smem:$0x3FB2];
	_ =	sdelay $0x3  }
0x33: {  	p0 =	seq.s32 s10, $0x1;
	s10 =	sld [smem:$0x3FB4];
	_ =	sdelay $0x3  }
0x34: {  	[smem:$0x3FB4] =	sst s10  }
0x35: {  	s10 =	sld [smem:$0x3FB3];
	_ =	sdelay $0x3  }
0x36: {  	p1 =	seq.s32 s10, $0x1;
	s10 =	sld [smem:$0x3FB4];
	_ =	sdelay $0x3  }
0x37: {  	[smem:$0x3FB4] =	sst s10  }
0x38: {  	s10 =	sld [smem:$0x3FB5]  }
0x39: {  	_ = 	snop;
	(pc) =	sbr.ind lr, $3  }
0x3a: {  	_ = 	snop  }
0x3b: {  	_ = 	snop  }
0x3c: {  	p2 =	seq.s32 s10, $0x1;
	s10 =	sld [smem:$0x3FB4]  }
0x3d: {  	_ =	shalt  }
0x3e: {  	_ =	shalt  }
0x3f: {  	_ =	shalt  }
0x40: {  	_ =	shalt  }
0x41: {  	_ =	shalt  }
0x42: {  	_ =	shalt  }
0x43: {  	_ =	shalt  }
0x44: {  	_ =	shalt  }
0x45: {  	_ =	shalt  }
0x46: {  	_ =	shalt  }
0x47: {  	_ =	shalt  }
0x48: {  	_ =	shalt  }
0x49: {  	_ =	shalt  }
0x4a: {  	_ =	shalt  }
0x4b: {  	_ =	shalt  }
0x4c: {  	_ =	shalt  }
0x4d: {  	_ =	shalt  }
0x4e: {  	_ =	shalt  }
0x4f: {  	_ =	shalt  }
0x50: {  	_ =	shalt  }
0x51: {  	_ =	shalt  }
0x52: {  	_ =	shalt  }
0x53: {  	_ =	shalt  }
0x54: {  	_ =	shalt  }
0x55: {  	_ =	shalt  }
0x56: {  	_ =	shalt  }
0x57: {  	_ =	shalt  }
0x58: {  	_ =	shalt  }
0x59: {  	_ =	shalt  }
0x5a: {  	_ =	shalt  }
0x5b: {  	_ =	shalt  }
0x5c: {  	_ =	shalt  }
0x5d: {  	_ =	shalt  }
0x5e: {  	_ =	shalt  }
0x5f: {  	_ =	shalt  }
0x60: {  	_ =	shalt  }
0x61: {  	_ =	shalt  }
0x62: {  	_ =	shalt  }
0x63: {  	_ =	shalt  }
0x64: {  	_ =	shalt  }
0x65: {  	_ =	shalt  }
0x66: {  	_ =	shalt  }
0x67: {  	_ =	shalt  }
0x68: {  	_ =	shalt  }
0x69: {  	_ =	shalt  }
0x6a: {  	_ =	shalt  }
0x6b: {  	_ =	shalt  }
0x6c: {  	_ =	shalt  }
0x6d: {  	_ =	shalt  }
0x6e: {  	_ =	shalt  }
0x6f: {  	_ =	shalt  }
0x70: {  	_ =	shalt  }
0x71: {  	_ =	shalt  }
0x72: {  	_ =	shalt  }
0x73: {  	_ =	shalt  }
0x74: {  	_ =	shalt  }
0x75: {  	_ =	shalt  }
0x76: {  	_ =	shalt  }
0x77: {  	_ =	shalt  }
0x78: {  	_ =	shalt  }
0x79: {  	_ =	shalt  }
0x7a: {  	_ =	shalt  }
0x7b: {  	_ =	shalt  }
0x7c: {  	_ =	shalt  }
0x7d: {  	_ =	shalt  }
0x7e: {  	_ =	shalt  }
0x7f: {  	_ =	shalt  }
0x80: {  	_ =	shalt  }
0x81: {  	_ =	shalt  }
0x82: {  	_ =	shalt  }
0x83: {  	_ =	shalt  }
0x84: {  	_ =	shalt  }
0x85: {  	_ =	shalt  }
0x86: {  	_ =	shalt  }
0x87: {  	_ =	shalt  }
.Lfunc_end0:
.L_simem_size_0:
called_computation.1_lowered:
.L_overlay_start_0:
0x88: {  	s2 =	sld [smem:$0x3FD9]  }
0x89: {  	s3 =	sld [smem:$0x3FFE];
	_ =	sdelay $0x1  }
0x8a: {  	s1 =	srdreg.scid  }
0x8b: {  	s0 =	sand.u32 $0x1, s1  }
0x8c: {  	s14 =	sshll.u32 s0, $0xA;
	s2 =	sadd.s32 s3, s2  }
0x8d: {  	s2 =	sadd.s32 s2, s14  }
0x8e: {  	[smem:$0x3FC0] =	sst s2  }
0x8f: {  	_ = 	snop  }
0x90: {  	s2 =	sld [smem:$0x3FD0];
	_ =	sdelay $0x2  }
0x91: {  	s15 =	simm.s32 $0xA;
	s4 =	simm.s32 $0x10  }
0x92: {  	[smem:s4], [sflag:s15] =	dma.local [hbm:s2], $0x1  }
0x93: {  	_ =	swait.eq [sflag:s15], $0x1  }
0x94: {  	[sflag:s15] =	ssyncset.done $0x0  }
0x95: {  	[sflag:s15] =	ssyncadd.s32 $0xFFFFFFFF  }
0x96: {  	s16 =	sld [smem:$0x10];
	(tm) =	ssettm $0x1  }
0x97: {  	s17 =	sld [smem:$0x3FFB];
	_ =	sdelay $0x3  }
0x98: {  	_ =	strace s17  }
0x99: {  	s3 =	sld [smem:$0x3FFC];
	_ =	sdelay $0x3  }
0x9a: {  	_ =	strace s3  }
0x9b: {  	s3 =	sld [smem:$0x3FFD];
	_ =	sdelay $0x3  }
0x9c: {  	_ =	strace s3  }
0x9d: {  	_ =	strace $0x8FFFFFFF  }
0x9e: {  	s18 =	sld [smem:$0x3FDB];
	_ =	sdelay $0x1  }
0x9f: {  	s19 =	simm.s32 $_scs_section_size  }
0xa0: {  	s5 =	simm.s32 $_size__tile_overlayer_lowered;
	s6 =	simm.s32 $_tile_overlayer_lowered  }
0xa1: {  	s22 =	simm.s32 $0x1BFF;
	s21 =	sshll.u32 s6, $0x1;
	s3 =	sadd.s32 s19, s18  }
0xa2: {  	s7 =	simm.s32 $0x0;
	s20 =	sshll.u32 s5, $0x1;
	s5 =	sadd.s32 s21, s3  }
0xa3: {  	[timem:s7], [sflag:s22] =	dma.local [hbm:s5], s20  }
0xa4: {  	_ =	swait.ge [sflag:s22], s20  }
0xa5: {  	s4 =	ssub.s32 $0x0, s20;
	[sflag:s22] =	ssyncset.done $0x0  }
0xa6: {  	[sflag:s22] =	ssyncadd.s32 s4;
	_ =	sdelay $0x1  }
0xa7: {  	s23 =	simm.s32 $0x1B8B  }
0xa8: {  	_ =	swait.ge [sflag:s23], $0x1  }
0xa9: {  	[sflag:s23] =	ssyncset.done $0x0  }
0xaa: {  	s25 =	simm.s32 $0x1B8E;
	s24 =	sld [smem:$0x3FFE];
	[sflag:s23] =	ssyncadd.s32 $0xFFFFFFFF  }
0xab: {  	s26 =	simm.s32 $execute0_lowered;
	[smem:$0x3FD2] =	sst s25  }
0xac: {  	s5 =	sshll.u32 s26, $0x1;
	_ =	strace $0x80000049;
	[dreg:$0x1] =	wrdreg $0xFFFFFFFF  }
0xad: {  	s28 =	simm.s32 $_size_execute0_lowered;
	s3 =	sadd.s32 s3, s5;
	[dreg:$0x0] =	wrdreg $0x0  }
0xae: {  	s5 =	sshll.u32 s28, $0x1;
	[dreg:$0x2] =	wrdreg s3  }
0xaf: {  	[dreg:$0x3] =	wrdreg s5  }
0xb0: {  	[dreg:$0x4] =	wrdreg $0xC0  }
0xb1: {  	_ =	task [dreg:s7], $0x5FFFF  }
0xb2: {  	[dreg:$0x1] =	wrdreg $0xFFFFFFFF  }
0xb3: {  	[dreg:$0x0] =	wrdreg $0x60  }
0xb4: {  	[dreg:$0x2] =	wrdreg s24  }
0xb5: {  	[dreg:$0x3] =	wrdreg s16  }
0xb6: {  	[dreg:$0x4] =	wrdreg $0x90000  }
0xb7: {  	[dreg:$0x5] =	wrdreg $0x9  }
0xb8: {  	_ =	task.clear_ibuf [dreg:s7], $0x6FFFF;
	_ =	strace $0x90000049  }
0xb9: {  	s29 =	simm.s32 $0x9;
	_ =	strace $0x8000004B  }
0xba: {  	_ =	swait.ge [sflag:s29], $0x1  }
0xbb: {  	[sflag:s29] =	ssyncadd.s32 $0xFFFFFFFF  }
0xbc: {  	_ =	strace $0x9000004B  }
0xbd: {  	_ =	sfence  }
0xbe: {  	s30 =	sld [smem:$0x0];
	_ =	sdelay $0x2  }
0xbf: {  	s31 =	sshll.u32 s1, $0xD;
	s1 =	sshrl.u32 s1, $0x2  }
0xc0: {  	s3 =	sand.u32 $0x4000, s31;
	s1 =	sadd.s32 s1, s30  }
0xc1: {  	s0 =	sor.u32 s3, s0;
	s1 =	sshll.u32 s1, $0x11  }
0xc2: {  	s0 =	sor.u32 s1, s0  }
0xc3: {  	s0 =	sadd.s32 $0x8F2B, s0  }
0xc4: {  	[sflag:s0] =	ssyncadd.remote.s32 $0x1  }
0xc5: {  	_ =	sfence.sel $0xFFFF  }
0xc6: {  	[dreg:$0x0] =	wrdreg $0xFFFFFFFF;
	(pc) =	sbr.abs _section_cstart, $3  }
0xc7: {  	[dreg:$0x1] =	wrdreg $0xFFFFFFFF  }
0xc8: {  	_ =	task.clear_ibuf [dreg:s7], $0x2FFFF;
	_ =	strace $0x9FFFFFFF  }
0xc9: {  	(tm) =	ssettm $0x7FFFFFFF  }
tec
execute0_lowered:
.L_overlay_start_1:
0x0: {  	(tag) =	ssettag $0x1  }
0x1: {  	s5 =	rddreg [dreg:$0x0]  }
0x2: {  	s6 =	rddreg [dreg:$0x1]  }
0x3: {  	s1 =	rddreg [dreg:$0x2]  }
0x4: {  	s2 =	srdreg.scid;
	s3 =	simm.s32 $0x0;
	s28 =	simm.s32 $0x0  }
0x5: {  	s7 =	sand.u32 $0x1, s2;
	s2 =	stileid.u32;
	[smem:$0x7FF] =	sst s3  }
0x6: {  	s21 =	sadd.s32 $0x35200, s5;
	s4 =	sshll.u32 s7, $0x4;
	s10 =	smul.u32 $0x50000, s2  }
0x7: {  	_ =	strace $0x8000004A;
	s9 =	ssub.s32 $0x2, s7;
	s18 =	smul.u32 $0x280, s2  }
0x8: {  	s19 =	smul.u32 $0x2800, s7;
	s4 =	sor.u32 s2, s4;
	s22 =	sshrl.u32 s9, $0x1  }
0x9: {  	s8 =	smul.u32 $0x500, s4;
	s4 =	sadd.s32 $0xD200, s5;
	s9 =	ssub.s32 s9, s22  }
0xa: {  	s23 =	sshrl.u32 s10, $0x2;
	s13 =	sadd.s32 s19, s18;
	s14 =	sadd.s32 $0x80, s18  }
0xb: {  	s25 =	sadd.s32 $0x100, s18;
	s29 =	sadd.s32 $0x180, s18;
	s13 =	sshll.u32 s13, $0x4  }
0xc: {  	s15 =	sshll.u32 s14, $0x7;
	s16 =	sadd.s32 s19, s14;
	s17 =	sshll.u32 s25, $0x7  }
0xd: {  	s20 =	sadd.s32 s19, s25;
	s22 =	sshll.u32 s29, $0x7;
	s25 =	simm.s32 $0x80  }
0xe: {  	s11 =	sadd.s32 s8, s5;
	s5 =	sadd.s32 s23, s1;
	s6 =	sadd.s32 s6, s8  }
0xf: {  	s8 =	smax.u32 s9, $0x1;
	s13 =	sadd.s32 s21, s13;
	s14 =	sadd.s32 s15, s1  }
0x10: {  	s24 =	sshll.u32 s16, $0x4;
	s16 =	sadd.s32 s17, s1;
	s26 =	sshll.u32 s20, $0x4  }
0x11: {  	s23 =	sadd.s32 $0x200, s18;
	s18 =	sadd.s32 s22, s1;
	s20 =	sadd.s32 s19, s29  }
0x12: {  	s22 =	simm.s32 $0x5000;
	s7 =	sadd.s32 $0x3200, s11;
	s9 =	sadd.s32 $0x4000, s5  }
0x13: {  	s10 =	sadd.s32 $0x8000, s5;
	s11 =	sadd.s32 $0xC000, s5;
	s12 =	sadd.s32 $0x10000, s5  }
0x14: {  	s15 =	sadd.s32 s21, s24;
	s17 =	sadd.s32 s21, s26;
	s19 =	sadd.s32 s19, s23  }
0x15: {  	s20 =	sshll.u32 s20, $0x4;
	s30 =	sshll.u32 s23, $0x7;
	s23 =	simm.s32 $0x2  }
0x16: {  	s24 =	simm.s32 $0x2800;
	s26 =	simm.s32 $0x1;
	s31 =	sshll.u32 s19, $0x4  }
0x17: {  	v0 =	vimm.f32 $0.0e+00;
	s19 =	sadd.s32 s21, s20;
	s20 =	sadd.s32 s30, s1;
	s21 =	sadd.s32 s21, s31  }
.LBB2_1:
0x18: {  	s29 =	simm.s32 $0x0;
	s30 =	simm.s32 $0x200  }
.LBB2_2:
0x19: {  	p0 =	sne.s32 s30, $0xFE00;
	[tilespmem:s29+$0x5070] =	vst v0  }
0x1a: {  	[tilespmem:s29+$0x5000] =	vst v0  }
0x1b: {  	[tilespmem:s29+$0x5010] =	vst v0  }
.Ltmp0:
0x1c: {  	[tilespmem:s29+$0x5020] =	vst v0;
	(pc) =	sbr.rel @p0 .LBB2_2-.Ltmp0, $4  }
0x1d: {  	[tilespmem:s29+$0x5030] =	vst v0  }
0x1e: {  	[tilespmem:s29+$0x5040] =	vst v0  }
0x1f: {  	[tilespmem:s29+$0x5050] =	vst v0  }
0x20: {  	[tilespmem:s29+$0x5060] =	vst v0;
	s29 =	sshra.s32 s30, $0x2;
	s30 =	sadd.s32 $0x200, s30  }
0x21: {  	[tilespmem:s29+$0x5070] =	vst v0  }
0x22: {  	[tilespmem:s29+$0x5000] =	vst v0  }
0x23: {  	[tilespmem:s29+$0x5010] =	vst v0  }
0x24: {  	[tilespmem:s29+$0x5020] =	vst v0  }
0x25: {  	[tilespmem:s29+$0x5030] =	vst v0  }
0x26: {  	[tilespmem:s29+$0x5040] =	vst v0  }
0x27: {  	[tilespmem:s29+$0x5050] =	vst v0  }
0x28: {  	[tilespmem:s29+$0x5060] =	vst v0  }
0x29: {  	[spmem:s5] =	stream.linear.scatter [tilespmem:s22], [sflag:$0x2], $0x4000, $0x38;
	[tilespmem:$0x1D000] =	vst v63  }
0x2a: {  	_ =	swait.ge [sflag:s23], $0x4000  }
0x2b: {  	[sflag:s23] =	ssyncset.done $0x0  }
0x2c: {  	[sflag:s23] =	ssyncadd.s32 $0xFFFFC000  }
0x2d: {  	[spmem:s9] =	stream.linear.scatter [tilespmem:s22], [sflag:$0x2], $0x4000, $0x38;
	[tilespmem:$0x1D000] =	vst v63  }
0x2e: {  	_ =	swait.ge [sflag:s23], $0x4000  }
0x2f: {  	[sflag:s23] =	ssyncset.done $0x0  }
0x30: {  	[sflag:s23] =	ssyncadd.s32 $0xFFFFC000  }
0x31: {  	[spmem:s10] =	stream.linear.scatter [tilespmem:s22], [sflag:$0x2], $0x4000, $0x38;
	[tilespmem:$0x1D000] =	vst v63  }
0x32: {  	_ =	swait.ge [sflag:s23], $0x4000  }
0x33: {  	[sflag:s23] =	ssyncset.done $0x0  }
0x34: {  	[sflag:s23] =	ssyncadd.s32 $0xFFFFC000  }
0x35: {  	[spmem:s11] =	stream.linear.scatter [tilespmem:s22], [sflag:$0x2], $0x4000, $0x38;
	[tilespmem:$0x1D000] =	vst v63  }
0x36: {  	_ =	swait.ge [sflag:s23], $0x4000  }
0x37: {  	[sflag:s23] =	ssyncset.done $0x0  }
0x38: {  	[sflag:s23] =	ssyncadd.s32 $0xFFFFC000  }
0x39: {  	[spmem:s12] =	stream.linear.scatter [tilespmem:s22], [sflag:$0x2], $0x4000, $0x38;
	[tilespmem:$0x1D000] =	vst v63  }
0x3a: {  	_ =	swait.ge [sflag:s23], $0x4000  }
0x3b: {  	[sflag:s23] =	ssyncset.done $0x0  }
0x3c: {  	[sflag:s23] =	ssyncadd.s32 $0xFFFFC000  }
0x3d: {  	s29 =	simm.s32 $0x0;
	[bflag:$0x0] =	sbarrier.arrive $0xFFFF  }
0x3e: {  	[tilespmem:s29], [sflag:$0x2] =	stream.linear.gather [hbm4b:s6+s29], $0x2780, $0x38;
	[tilespmem:$0x1D000] =	vst v63  }
0x3f: {  	_ =	swait.ge [sflag:s23], $0x2780  }
0x40: {  	[sflag:s23] =	ssyncset.done $0x0  }
0x41: {  	[sflag:s23] =	ssyncadd.s32 $0xFFFFD880  }
0x42: {  	[tilespmem:s24], [sflag:$0x2] =	stream.linear.gather [hbm4b:s7+s29], $0x2780, $0x38;
	[tilespmem:$0x1D000] =	vst v63  }
0x43: {  	_ =	swait.ge [sflag:s23], $0x2780  }
0x44: {  	[sflag:s23] =	ssyncset.done $0x0  }
0x45: {  	s29 =	simm.s32 $0x0;
	[sflag:s23] =	ssyncadd.s32 $0xFFFFD880  }
0x46: {  	[tilespmem:s22], [sflag:$0x1] =	stream.indirect.gather [hbm4b:s4+s25], $0x80, s29, s25, $0xb8;
	[tilespmem:$0x1D000] =	vst v63  }
0x47: {  	_ =	swait.ge [sflag:s26], $0x4000  }
0x48: {  	[sflag:s26] =	ssyncset.done $0x0  }
0x49: {  	s29 =	simm.s32 $0x2800;
	[sflag:s26] =	ssyncadd.s32 $0xFFFFC000  }
0x4a: {  	[spmem:s1] =	stream.indirect.scatter.add.f32 [tilespmem:s22], [sflag:$0x2], $0x80, s29, s25, $0xb8;
	[tilespmem:$0x1D000] =	vst v63  }
0x4b: {  	_ =	swait.ge [sflag:s23], $0x4000  }
0x4c: {  	s30 =	simm.s32 $0x400;
	s29 =	simm.s32 $0x200;
	[sflag:s23] =	ssyncset.done $0x0  }
.LBB2_4:
0x4d: {  	s31 =	sshra.s32 s29, $0x2  }
0x4e: {  	[sflag:s23] =	ssyncadd.s32 $0xFFFFC000;
	s29 =	smov.u32 s30;
	s0 =	sadd.s32 $0x200, s30  }
0x4f: {  	[tilespmem:s22], [sflag:$0x1] =	stream.indirect.gather [hbm4b:s4+s25], $0x80, s31, s25, $0xb8;
	[tilespmem:$0x1D000] =	vst v63  }
0x50: {  	p0 =	sne.s32 s30, $0x9C00;
	_ =	swait.ge [sflag:s26], $0x4000  }
.Ltmp1:
0x51: {  	[sflag:s26] =	ssyncset.done $0x0;
	(pc) =	sbr.rel @p0 .LBB2_4-.Ltmp1, $4  }
0x52: {  	s30 =	sadd.s32 $0x2800, s31;
	[sflag:s26] =	ssyncadd.s32 $0xFFFFC000  }
0x53: {  	[spmem:s1] =	stream.indirect.scatter.add.f32 [tilespmem:s22], [sflag:$0x2], $0x80, s30, s25, $0xb8;
	[tilespmem:$0x1D000] =	vst v63  }
0x54: {  	_ =	swait.ge [sflag:s23], $0x4000  }
0x55: {  	s30 =	smov.u32 s0;
	[sflag:s23] =	ssyncset.done $0x0  }
0x56: {  	s0 =	sshra.s32 s29, $0x2;
	[sflag:s23] =	ssyncadd.s32 $0xFFFFC000  }
0x57: {  	[tilespmem:s22], [sflag:$0x1] =	stream.indirect.gather [hbm4b:s4+s25], $0x80, s0, s25, $0xb8;
	[tilespmem:$0x1D000] =	vst v63  }
0x58: {  	_ =	swait.ge [sflag:s26], $0x4000  }
0x59: {  	[sflag:s26] =	ssyncset.done $0x0  }
0x5a: {  	s0 =	sadd.s32 $0x2800, s0;
	[sflag:s26] =	ssyncadd.s32 $0xFFFFC000  }
0x5b: {  	[spmem:s1] =	stream.indirect.scatter.add.f32 [tilespmem:s22], [sflag:$0x2], $0x80, s0, s25, $0xb8;
	[tilespmem:$0x1D000] =	vst v63  }
0x5c: {  	_ =	swait.ge [sflag:s23], $0x4000  }
0x5d: {  	[sflag:s23] =	ssyncset.done $0x0  }
0x5e: {  	[sflag:s23] =	ssyncadd.s32 $0xFFFFC000  }
0x5f: {  	[bflag:$0x0] =	sbarrier.arrive $0xFFFF  }
0x60: {  	[tilespmem:s22], [sflag:$0x2] =	stream.linear.gather [spmem:s5], $0x4000, $0x38;
	[tilespmem:$0x1D000] =	vst v63  }
0x61: {  	_ =	swait.ge [sflag:s23], $0x4000  }
0x62: {  	[sflag:s23] =	ssyncset.done $0x0  }
0x63: {  	[sflag:s23] =	ssyncadd.s32 $0xFFFFC000  }
0x64: {  	[hbm4b:s13+s3] =	stream.linear.scatter [tilespmem:s22], [sflag:$0x2], $0x4000, $0x38;
	[tilespmem:$0x1D000] =	vst v63  }
0x65: {  	_ =	swait.ge [sflag:s23], $0x4000  }
0x66: {  	[sflag:s23] =	ssyncset.done $0x0  }
0x67: {  	[sflag:s23] =	ssyncadd.s32 $0xFFFFC000  }
0x68: {  	[tilespmem:s22], [sflag:$0x2] =	stream.linear.gather [spmem:s14], $0x4000, $0x38;
	[tilespmem:$0x1D000] =	vst v63  }
0x69: {  	_ =	swait.ge [sflag:s23], $0x4000  }
0x6a: {  	[sflag:s23] =	ssyncset.done $0x0  }
0x6b: {  	[sflag:s23] =	ssyncadd.s32 $0xFFFFC000  }
0x6c: {  	[hbm4b:s15+s3] =	stream.linear.scatter [tilespmem:s22], [sflag:$0x2], $0x4000, $0x38;
	[tilespmem:$0x1D000] =	vst v63  }
0x6d: {  	_ =	swait.ge [sflag:s23], $0x4000  }
0x6e: {  	[sflag:s23] =	ssyncset.done $0x0  }
0x6f: {  	[sflag:s23] =	ssyncadd.s32 $0xFFFFC000  }
0x70: {  	[tilespmem:s22], [sflag:$0x2] =	stream.linear.gather [spmem:s16], $0x4000, $0x38;
	[tilespmem:$0x1D000] =	vst v63  }
0x71: {  	_ =	swait.ge [sflag:s23], $0x4000  }
0x72: {  	[sflag:s23] =	ssyncset.done $0x0  }
0x73: {  	[sflag:s23] =	ssyncadd.s32 $0xFFFFC000  }
0x74: {  	[hbm4b:s17+s3] =	stream.linear.scatter [tilespmem:s22], [sflag:$0x2], $0x4000, $0x38;
	[tilespmem:$0x1D000] =	vst v63  }
0x75: {  	_ =	swait.ge [sflag:s23], $0x4000  }
0x76: {  	[sflag:s23] =	ssyncset.done $0x0  }
0x77: {  	[sflag:s23] =	ssyncadd.s32 $0xFFFFC000  }
0x78: {  	[tilespmem:s22], [sflag:$0x2] =	stream.linear.gather [spmem:s18], $0x4000, $0x38;
	[tilespmem:$0x1D000] =	vst v63  }
0x79: {  	_ =	swait.ge [sflag:s23], $0x4000  }
0x7a: {  	[sflag:s23] =	ssyncset.done $0x0  }
0x7b: {  	[sflag:s23] =	ssyncadd.s32 $0xFFFFC000  }
0x7c: {  	[hbm4b:s19+s3] =	stream.linear.scatter [tilespmem:s22], [sflag:$0x2], $0x4000, $0x38;
	[tilespmem:$0x1D000] =	vst v63  }
0x7d: {  	_ =	swait.ge [sflag:s23], $0x4000  }
0x7e: {  	[sflag:s23] =	ssyncset.done $0x0  }
0x7f: {  	[sflag:s23] =	ssyncadd.s32 $0xFFFFC000  }
0x80: {  	[tilespmem:s22], [sflag:$0x2] =	stream.linear.gather [spmem:s20], $0x4000, $0x38;
	[tilespmem:$0x1D000] =	vst v63  }
0x81: {  	s28 =	sadd.s32 $0x1, s28;
	_ =	swait.ge [sflag:s23], $0x4000  }
0x82: {  	p0 =	sne.s32 s28, s8;
	[sflag:s23] =	ssyncset.done $0x0  }
.Ltmp2:
0x83: {  	[sflag:s23] =	ssyncadd.s32 $0xFFFFC000;
	(pc) =	sbr.rel @p0 .LBB2_1-.Ltmp2, $4  }
0x84: {  	[hbm4b:s21+s3] =	stream.linear.scatter [tilespmem:s22], [sflag:$0x2], $0x4000, $0x38;
	[tilespmem:$0x1D000] =	vst v63  }
0x85: {  	_ =	swait.ge [sflag:s23], $0x4000  }
0x86: {  	[sflag:s23] =	ssyncset.done $0x0  }
0x87: {  	[sflag:s23] =	ssyncadd.s32 $0xFFFFC000  }
0x88: {  	_ =	sfence.sel $0x180000  }
0x89: {  	[bflag:$0x0] =	sbarrier.arrive $0xFFFF  }
0x8a: {  	_ =	strace $0x9000004A  }
0x8b: {  	[bflag:$0x2] =	sbarrier.arrive $0xFFFF  }
0x8c: {  	p0 =	sne.s32 s2, $0x0;
	s0 =	rddreg [dreg:$0x3]  }
0x8d: {  	s0 =	sadd.s32 @!p0 $0x100000, s0  }
0x8e: {  	[sflag:s0] =	ssyncadd.tile.s32 @!p0 $0x1;
	_ =	shalt  }
.Lfunc_end2:
_tile_overlayer_lowered:
.L_overlay_start_2:
0x8f: {  	(tag) =	ssettag $0x2  }
0x90: {  	s0 =	rddreg [dreg:$0x0];
	s2 =	stileid.u32  }
0x91: {  	s1 =	rddreg [dreg:$0x1];
	p0 =	sne.s32 s2, $0x0  }
0x92: {  	s3 =	rddreg [dreg:$0x2];
	[bflag:$0x3] =	sbarrier.arrive $0xFFFF;
	s2 =	simm.s32 @!p0 $0x1C02  }
0x93: {  	[timem:s3], [sflag:s2] =	dma.local @!p0 [hbm:s0], s1  }
0x94: {  	s0 =	simm.s32 @!p0 $0x2  }
0x95: {  	_ =	swait.ge @!p0 [sflag:s0], s1  }
0x96: {  	s1 =	ssub.s32 @!p0 $0x0, s1;
	[sflag:s0] =	ssyncset.done @!p0 $0x0  }
0x97: {  	[sflag:s0] =	ssyncadd.s32 @!p0 s1  }
0x98: {  	[bflag:$0x3] =	sbarrier.arrive $0xFFFF  }
0x99: {  	_ =	shalt  }

// kernel: kernel.16.cloned.1.call-start
scs
__scs_entry_jumppad:
0x0: {  	(pc) =	sbr.rel $0x88, $3  }
0x1: {  	(tag) =	ssettag $0x0;
	lr =	simm.s32 $0x1  }
0x2: {  	[smem:$0x3F99] =	sst lr;
	_ =	strace $0xD0000000  }
0x3: {  	_ = 	snop  }
0x4: {  	_ = 	snop  }
0x5: {  	_ = 	snop  }
0x6: {  	_ = 	snop  }
0x7: {  	_ = 	snop  }
__scs_overlays_trampoline_lowered:
0x8: {  	[smem:$0x3FA8] =	sst s0  }
0x9: {  	[smem:$0x3FA9] =	sst s1  }
0xa: {  	[smem:$0x3FAA] =	sst s2  }
0xb: {  	[smem:$0x3FAB] =	sst s3  }
0xc: {  	[smem:$0x3FAC] =	sst s4  }
0xd: {  	[smem:$0x3FAD] =	sst s5  }
0xe: {  	[smem:$0x3FAE] =	sst s6  }
0xf: {  	[smem:$0x3FAF] =	sst s7  }
0x10: {  	[smem:$0x3FB0] =	sst s8  }
0x11: {  	[smem:$0x3FB1] =	sst s9;
	s0 =	simm.s32 @!p0 $0x0  }
0x12: {  	s1 =	sld [smem:$0x3F97];
	s0 =	simm.s32 @p0 $0x1  }
0x13: {  	[smem:$0x3FB2] =	sst s0;
	s0 =	simm.s32 @!p1 $0x0  }
0x14: {  	s2 =	sld [smem:$0x3F96];
	s0 =	simm.s32 @p1 $0x1  }
0x15: {  	[smem:$0x3FB3] =	sst s0;
	s0 =	simm.s32 @!p2 $0x0  }
0x16: {  	s3 =	sld [smem:$0x3FDB];
	s0 =	simm.s32 @p2 $0x1  }
0x17: {  	s4 =	simm.s32 $0x1BF5;
	[smem:$0x3FB5] =	sst s0  }
0x18: {  	s0 =	sld [smem:$0x3F98];
	_ =	swait.ge [sflag:s4], $0x0  }
0x19: {  	s7 =	sld [smem:$0x3F99]  }
0x1a: {  	s8 =	sadd.s32 $0xFFFFE003, lr  }
0x1b: {  	s9 =	sadd.s32 $0xFFFFFEF7, lr;
	s5 =	simm.s32 $0xFFFFFFFF;
	p2 =	slt.u32 s8, $0xFFFFF086  }
0x1c: {  	p1 =	slt.u32 s9, $0xF7A;
	s5 =	simm.s32 @!p2 $0x0  }
0x1d: {  	s5 =	simm.s32 @p1 $0x1;
	p0 =	seq.s32 s7, s2  }
0x1e: {  	s7 =	smul.u32 @!p0 $0xF7A, s2;
	p2 =	seq.s32 @!p0 s5, $0x0  }
0x1f: {  	s9 =	smul.u32 $0xF7A, s1;
	s8 =	simm.s32 @!p0 $0x1BF5;
	p2 =	por !p2, p0  }
0x20: {  	[sflag:s8] =	ssyncset.s32 @!p0 $0xFFFFF086;
	s6 =	sadd.s32 @!p0 s3, s7;
	s7 =	simm.s32 @!p0 $0x108  }
0x21: {  	s3 =	sadd.s32 s3, s9;
	s6 =	sadd.s32 @!p0 $0x88, s6;
	s7 =	simm.s32 @p2 $0x1082  }
0x22: {  	[simem:s7], [sflag:s8] =	dma.local @!p0 [hbm:s6], $0xF7A  }
0x23: {  	s9 =	sor.u32 $0xD0000000, s2;
	s6 =	simm.s32 $0x108;
	_ =	swait.ge @!p0 [sflag:s8], $0x0  }
0x24: {  	s3 =	sadd.s32 $0x88, s3;
	s6 =	simm.s32 @!p1 $0x1082;
	[sflag:s4] =	ssyncset.s32 $0xFFFFF086  }
0x25: {  	[simem:s6], [sflag:s4] =	dma.local [hbm:s3], $0xF7A  }
0x26: {  	[smem:$0x3F99] =	sst s1;
	(tag) =	ssettag s2;
	_ =	strace s9  }
0x27: {  	s1 =	sld [smem:$0x3FA9]  }
0x28: {  	s2 =	sld [smem:$0x3FAA]  }
0x29: {  	s4 =	sld [smem:$0x3FAC]  }
0x2a: {  	p0 =	seq.s32 s5, $0x0;
	s5 =	sld [smem:$0x3FAD]  }
0x2b: {  	s6 =	sld [smem:$0x3FAE]  }
0x2c: {  	s7 =	sld [smem:$0x3FAF]  }
0x2d: {  	s3 =	simm.s32 $0x108;
	s8 =	sld [smem:$0x3FB0]  }
0x2e: {  	s3 =	simm.s32 @!p0 $0x1082;
	s9 =	sld [smem:$0x3FB1]  }
0x2f: {  	lr =	sadd.s32 s0, s3;
	s0 =	sld [smem:$0x3FA8]  }
0x30: {  	s3 =	sld [smem:$0x3FAB]  }
0x31: {  	[smem:$0x3FB4] =	sst s10  }
0x32: {  	s10 =	sld [smem:$0x3FB2];
	_ =	sdelay $0x3  }
0x33: {  	p0 =	seq.s32 s10, $0x1;
	s10 =	sld [smem:$0x3FB4];
	_ =	sdelay $0x3  }
0x34: {  	[smem:$0x3FB4] =	sst s10  }
0x35: {  	s10 =	sld [smem:$0x3FB3];
	_ =	sdelay $0x3  }
0x36: {  	p1 =	seq.s32 s10, $0x1;
	s10 =	sld [smem:$0x3FB4];
	_ =	sdelay $0x3  }
0x37: {  	[smem:$0x3FB4] =	sst s10  }
0x38: {  	s10 =	sld [smem:$0x3FB5]  }
0x39: {  	_ = 	snop;
	(pc) =	sbr.ind lr, $3  }
0x3a: {  	_ = 	snop  }
0x3b: {  	_ = 	snop  }
0x3c: {  	p2 =	seq.s32 s10, $0x1;
	s10 =	sld [smem:$0x3FB4]  }
0x3d: {  	_ =	shalt  }
0x3e: {  	_ =	shalt  }
0x3f: {  	_ =	shalt  }
0x40: {  	_ =	shalt  }
0x41: {  	_ =	shalt  }
0x42: {  	_ =	shalt  }
0x43: {  	_ =	shalt  }
0x44: {  	_ =	shalt  }
0x45: {  	_ =	shalt  }
0x46: {  	_ =	shalt  }
0x47: {  	_ =	shalt  }
0x48: {  	_ =	shalt  }
0x49: {  	_ =	shalt  }
0x4a: {  	_ =	shalt  }
0x4b: {  	_ =	shalt  }
0x4c: {  	_ =	shalt  }
0x4d: {  	_ =	shalt  }
0x4e: {  	_ =	shalt  }
0x4f: {  	_ =	shalt  }
0x50: {  	_ =	shalt  }
0x51: {  	_ =	shalt  }
0x52: {  	_ =	shalt  }
0x53: {  	_ =	shalt  }
0x54: {  	_ =	shalt  }
0x55: {  	_ =	shalt  }
0x56: {  	_ =	shalt  }
0x57: {  	_ =	shalt  }
0x58: {  	_ =	shalt  }
0x59: {  	_ =	shalt  }
0x5a: {  	_ =	shalt  }
0x5b: {  	_ =	shalt  }
0x5c: {  	_ =	shalt  }
0x5d: {  	_ =	shalt  }
0x5e: {  	_ =	shalt  }
0x5f: {  	_ =	shalt  }
0x60: {  	_ =	shalt  }
0x61: {  	_ =	shalt  }
0x62: {  	_ =	shalt  }
0x63: {  	_ =	shalt  }
0x64: {  	_ =	shalt  }
0x65: {  	_ =	shalt  }
0x66: {  	_ =	shalt  }
0x67: {  	_ =	shalt  }
0x68: {  	_ =	shalt  }
0x69: {  	_ =	shalt  }
0x6a: {  	_ =	shalt  }
0x6b: {  	_ =	shalt  }
0x6c: {  	_ =	shalt  }
0x6d: {  	_ =	shalt  }
0x6e: {  	_ =	shalt  }
0x6f: {  	_ =	shalt  }
0x70: {  	_ =	shalt  }
0x71: {  	_ =	shalt  }
0x72: {  	_ =	shalt  }
0x73: {  	_ =	shalt  }
0x74: {  	_ =	shalt  }
0x75: {  	_ =	shalt  }
0x76: {  	_ =	shalt  }
0x77: {  	_ =	shalt  }
0x78: {  	_ =	shalt  }
0x79: {  	_ =	shalt  }
0x7a: {  	_ =	shalt  }
0x7b: {  	_ =	shalt  }
0x7c: {  	_ =	shalt  }
0x7d: {  	_ =	shalt  }
0x7e: {  	_ =	shalt  }
0x7f: {  	_ =	shalt  }
0x80: {  	_ =	shalt  }
0x81: {  	_ =	shalt  }
0x82: {  	_ =	shalt  }
0x83: {  	_ =	shalt  }
0x84: {  	_ =	shalt  }
0x85: {  	_ =	shalt  }
0x86: {  	_ =	shalt  }
0x87: {  	_ =	shalt  }
.Lfunc_end0:
.L_simem_size_0:
called_computation.2_lowered:
.L_overlay_start_0:
0x88: {  	s2 =	sld [smem:$0x3FD9]  }
0x89: {  	s3 =	sld [smem:$0x3FFE];
	_ =	sdelay $0x1  }
0x8a: {  	s1 =	srdreg.scid  }
0x8b: {  	s0 =	sand.u32 $0x1, s1  }
0x8c: {  	s14 =	sshll.u32 s0, $0xA;
	s2 =	sadd.s32 s3, s2  }
0x8d: {  	s2 =	sadd.s32 s2, s14  }
0x8e: {  	[smem:$0x3FC0] =	sst s2  }
0x8f: {  	_ = 	snop  }
0x90: {  	s2 =	sld [smem:$0x3FD0];
	_ =	sdelay $0x2  }
0x91: {  	s15 =	simm.s32 $0xA;
	s4 =	simm.s32 $0x10  }
0x92: {  	[smem:s4], [sflag:s15] =	dma.local [hbm:s2], $0x1  }
0x93: {  	_ =	swait.eq [sflag:s15], $0x1  }
0x94: {  	[sflag:s15] =	ssyncset.done $0x0  }
0x95: {  	[sflag:s15] =	ssyncadd.s32 $0xFFFFFFFF  }
0x96: {  	s16 =	sld [smem:$0x10];
	(tm) =	ssettm $0x1  }
0x97: {  	s17 =	sld [smem:$0x3FFB];
	_ =	sdelay $0x3  }
0x98: {  	_ =	strace s17  }
0x99: {  	s3 =	sld [smem:$0x3FFC];
	_ =	sdelay $0x3  }
0x9a: {  	_ =	strace s3  }
0x9b: {  	s3 =	sld [smem:$0x3FFD];
	_ =	sdelay $0x3  }
0x9c: {  	_ =	strace s3  }
0x9d: {  	_ =	strace $0x8FFFFFFF  }
0x9e: {  	s18 =	sld [smem:$0x3FDB];
	_ =	sdelay $0x1  }
0x9f: {  	s19 =	simm.s32 $_scs_section_size  }
0xa0: {  	s5 =	simm.s32 $_size__tile_overlayer_lowered;
	s6 =	simm.s32 $_tile_overlayer_lowered  }
0xa1: {  	s22 =	simm.s32 $0x1BFF;
	s21 =	sshll.u32 s6, $0x1;
	s3 =	sadd.s32 s19, s18  }
0xa2: {  	s7 =	simm.s32 $0x0;
	s20 =	sshll.u32 s5, $0x1;
	s5 =	sadd.s32 s21, s3  }
0xa3: {  	[timem:s7], [sflag:s22] =	dma.local [hbm:s5], s20  }
0xa4: {  	_ =	swait.ge [sflag:s22], s20  }
0xa5: {  	s4 =	ssub.s32 $0x0, s20;
	[sflag:s22] =	ssyncset.done $0x0  }
0xa6: {  	[sflag:s22] =	ssyncadd.s32 s4;
	_ =	sdelay $0x1  }
0xa7: {  	s23 =	simm.s32 $0x1B8B  }
0xa8: {  	_ =	swait.ge [sflag:s23], $0x1  }
0xa9: {  	[sflag:s23] =	ssyncset.done $0x0  }
0xaa: {  	s25 =	simm.s32 $0x1B8E;
	s24 =	sld [smem:$0x3FFE];
	[sflag:s23] =	ssyncadd.s32 $0xFFFFFFFF  }
0xab: {  	s26 =	simm.s32 $execute0_lowered;
	[smem:$0x3FD2] =	sst s25  }
0xac: {  	s5 =	sshll.u32 s26, $0x1;
	_ =	strace $0x8000004C;
	[dreg:$0x1] =	wrdreg $0xFFFFFFFF  }
0xad: {  	s28 =	simm.s32 $_size_execute0_lowered;
	s3 =	sadd.s32 s3, s5;
	[dreg:$0x0] =	wrdreg $0x0  }
0xae: {  	s5 =	sshll.u32 s28, $0x1;
	[dreg:$0x2] =	wrdreg s3  }
0xaf: {  	[dreg:$0x3] =	wrdreg s5  }
0xb0: {  	[dreg:$0x4] =	wrdreg $0xC0  }
0xb1: {  	_ =	task [dreg:s7], $0x5FFFF  }
0xb2: {  	[dreg:$0x1] =	wrdreg $0xFFFFFFFF  }
0xb3: {  	[dreg:$0x0] =	wrdreg $0x60  }
0xb4: {  	[dreg:$0x2] =	wrdreg s24  }
0xb5: {  	[dreg:$0x3] =	wrdreg s16  }
0xb6: {  	[dreg:$0x4] =	wrdreg $0x90000  }
0xb7: {  	[dreg:$0x5] =	wrdreg $0x9  }
0xb8: {  	_ =	task.clear_ibuf [dreg:s7], $0x6FFFF;
	_ =	strace $0x9000004C  }
0xb9: {  	s29 =	simm.s32 $0x9;
	_ =	strace $0x8000004E  }
0xba: {  	_ =	swait.ge [sflag:s29], $0x1  }
0xbb: {  	[sflag:s29] =	ssyncadd.s32 $0xFFFFFFFF  }
0xbc: {  	_ =	strace $0x9000004E  }
0xbd: {  	_ =	sfence  }
0xbe: {  	s30 =	sld [smem:$0x0];
	_ =	sdelay $0x2  }
0xbf: {  	s31 =	sshll.u32 s1, $0xD;
	s1 =	sshrl.u32 s1, $0x2  }
0xc0: {  	s3 =	sand.u32 $0x4000, s31;
	s1 =	sadd.s32 s1, s30  }
0xc1: {  	s0 =	sor.u32 s3, s0;
	s1 =	sshll.u32 s1, $0x11  }
0xc2: {  	s0 =	sor.u32 s1, s0  }
0xc3: {  	s0 =	sadd.s32 $0x8F2B, s0  }
0xc4: {  	[sflag:s0] =	ssyncadd.remote.s32 $0x1  }
0xc5: {  	_ =	sfence.sel $0xFFFF  }
0xc6: {  	[dreg:$0x0] =	wrdreg $0xFFFFFFFF;
	(pc) =	sbr.abs _section_cstart, $3  }
0xc7: {  	[dreg:$0x1] =	wrdreg $0xFFFFFFFF  }
0xc8: {  	_ =	task.clear_ibuf [dreg:s7], $0x2FFFF;
	_ =	strace $0x9FFFFFFF  }
0xc9: {  	(tm) =	ssettm $0x7FFFFFFF  }
tec
execute0_lowered:
.L_overlay_start_1:
0x0: {  	(tag) =	ssettag $0x1  }
0x1: {  	s5 =	rddreg [dreg:$0x0]  }
0x2: {  	s6 =	rddreg [dreg:$0x1]  }
0x3: {  	s1 =	rddreg [dreg:$0x2]  }
0x4: {  	s2 =	srdreg.scid;
	s3 =	simm.s32 $0x0;
	s28 =	simm.s32 $0x0  }
0x5: {  	s7 =	sand.u32 $0x1, s2;
	s2 =	stileid.u32;
	[smem:$0x7FF] =	sst s3  }
0x6: {  	s21 =	sadd.s32 $0x35200, s5;
	s4 =	sshll.u32 s7, $0x4;
	s10 =	smul.u32 $0x50000, s2  }
0x7: {  	_ =	strace $0x8000004D;
	s9 =	ssub.s32 $0x2, s7;
	s18 =	smul.u32 $0x280, s2  }
0x8: {  	s19 =	smul.u32 $0x2800, s7;
	s4 =	sor.u32 s2, s4;
	s22 =	sshrl.u32 s9, $0x1  }
0x9: {  	s8 =	smul.u32 $0x500, s4;
	s4 =	sadd.s32 $0xD200, s5;
	s9 =	ssub.s32 s9, s22  }
0xa: {  	s23 =	sshrl.u32 s10, $0x2;
	s13 =	sadd.s32 s19, s18;
	s14 =	sadd.s32 $0x80, s18  }
0xb: {  	s25 =	sadd.s32 $0x100, s18;
	s29 =	sadd.s32 $0x180, s18;
	s13 =	sshll.u32 s13, $0x4  }
0xc: {  	s15 =	sshll.u32 s14, $0x7;
	s16 =	sadd.s32 s19, s14;
	s17 =	sshll.u32 s25, $0x7  }
0xd: {  	s20 =	sadd.s32 s19, s25;
	s22 =	sshll.u32 s29, $0x7;
	s25 =	simm.s32 $0x80  }
0xe: {  	s11 =	sadd.s32 s8, s5;
	s5 =	sadd.s32 s23, s1;
	s6 =	sadd.s32 s6, s8  }
0xf: {  	s8 =	smax.u32 s9, $0x1;
	s13 =	sadd.s32 s21, s13;
	s14 =	sadd.s32 s15, s1  }
0x10: {  	s24 =	sshll.u32 s16, $0x4;
	s16 =	sadd.s32 s17, s1;
	s26 =	sshll.u32 s20, $0x4  }
0x11: {  	s23 =	sadd.s32 $0x200, s18;
	s18 =	sadd.s32 s22, s1;
	s20 =	sadd.s32 s19, s29  }
0x12: {  	s22 =	simm.s32 $0x5000;
	s7 =	sadd.s32 $0x3200, s11;
	s9 =	sadd.s32 $0x4000, s5  }
0x13: {  	s10 =	sadd.s32 $0x8000, s5;
	s11 =	sadd.s32 $0xC000, s5;
	s12 =	sadd.s32 $0x10000, s5  }
0x14: {  	s15 =	sadd.s32 s21, s24;
	s17 =	sadd.s32 s21, s26;
	s19 =	sadd.s32 s19, s23  }
0x15: {  	s20 =	sshll.u32 s20, $0x4;
	s30 =	sshll.u32 s23, $0x7;
	s23 =	simm.s32 $0x2  }
0x16: {  	s24 =	simm.s32 $0x2800;
	s26 =	simm.s32 $0x1;
	s31 =	sshll.u32 s19, $0x4  }
0x17: {  	v0 =	vimm.f32 $0.0e+00;
	s19 =	sadd.s32 s21, s20;
	s20 =	sadd.s32 s30, s1;
	s21 =	sadd.s32 s21, s31  }
.LBB2_1:
0x18: {  	s29 =	simm.s32 $0x0;
	s30 =	simm.s32 $0x200  }
.LBB2_2:
0x19: {  	p0 =	sne.s32 s30, $0xFE00;
	[tilespmem:s29+$0x5070] =	vst v0  }
0x1a: {  	[tilespmem:s29+$0x5000] =	vst v0  }
0x1b: {  	[tilespmem:s29+$0x5010] =	vst v0  }
.Ltmp0:
0x1c: {  	[tilespmem:s29+$0x5020] =	vst v0;
	(pc) =	sbr.rel @p0 .LBB2_2-.Ltmp0, $4  }
0x1d: {  	[tilespmem:s29+$0x5030] =	vst v0  }
0x1e: {  	[tilespmem:s29+$0x5040] =	vst v0  }
0x1f: {  	[tilespmem:s29+$0x5050] =	vst v0  }
0x20: {  	[tilespmem:s29+$0x5060] =	vst v0;
	s29 =	sshra.s32 s30, $0x2;
	s30 =	sadd.s32 $0x200, s30  }
0x21: {  	[tilespmem:s29+$0x5070] =	vst v0  }
0x22: {  	[tilespmem:s29+$0x5000] =	vst v0  }
0x23: {  	[tilespmem:s29+$0x5010] =	vst v0  }
0x24: {  	[tilespmem:s29+$0x5020] =	vst v0  }
0x25: {  	[tilespmem:s29+$0x5030] =	vst v0  }
0x26: {  	[tilespmem:s29+$0x5040] =	vst v0  }
0x27: {  	[tilespmem:s29+$0x5050] =	vst v0  }
0x28: {  	[tilespmem:s29+$0x5060] =	vst v0  }
0x29: {  	[spmem:s5] =	stream.linear.scatter [tilespmem:s22], [sflag:$0x2], $0x4000, $0x38;
	[tilespmem:$0x1D000] =	vst v63  }
0x2a: {  	_ =	swait.ge [sflag:s23], $0x4000  }
0x2b: {  	[sflag:s23] =	ssyncset.done $0x0  }
0x2c: {  	[sflag:s23] =	ssyncadd.s32 $0xFFFFC000  }
0x2d: {  	[spmem:s9] =	stream.linear.scatter [tilespmem:s22], [sflag:$0x2], $0x4000, $0x38;
	[tilespmem:$0x1D000] =	vst v63  }
0x2e: {  	_ =	swait.ge [sflag:s23], $0x4000  }
0x2f: {  	[sflag:s23] =	ssyncset.done $0x0  }
0x30: {  	[sflag:s23] =	ssyncadd.s32 $0xFFFFC000  }
0x31: {  	[spmem:s10] =	stream.linear.scatter [tilespmem:s22], [sflag:$0x2], $0x4000, $0x38;
	[tilespmem:$0x1D000] =	vst v63  }
0x32: {  	_ =	swait.ge [sflag:s23], $0x4000  }
0x33: {  	[sflag:s23] =	ssyncset.done $0x0  }
0x34: {  	[sflag:s23] =	ssyncadd.s32 $0xFFFFC000  }
0x35: {  	[spmem:s11] =	stream.linear.scatter [tilespmem:s22], [sflag:$0x2], $0x4000, $0x38;
	[tilespmem:$0x1D000] =	vst v63  }
0x36: {  	_ =	swait.ge [sflag:s23], $0x4000  }
0x37: {  	[sflag:s23] =	ssyncset.done $0x0  }
0x38: {  	[sflag:s23] =	ssyncadd.s32 $0xFFFFC000  }
0x39: {  	[spmem:s12] =	stream.linear.scatter [tilespmem:s22], [sflag:$0x2], $0x4000, $0x38;
	[tilespmem:$0x1D000] =	vst v63  }
0x3a: {  	_ =	swait.ge [sflag:s23], $0x4000  }
0x3b: {  	[sflag:s23] =	ssyncset.done $0x0  }
0x3c: {  	[sflag:s23] =	ssyncadd.s32 $0xFFFFC000  }
0x3d: {  	s29 =	simm.s32 $0x0;
	[bflag:$0x0] =	sbarrier.arrive $0xFFFF  }
0x3e: {  	[tilespmem:s29], [sflag:$0x2] =	stream.linear.gather [hbm4b:s6+s29], $0x2780, $0x38;
	[tilespmem:$0x1D000] =	vst v63  }
0x3f: {  	_ =	swait.ge [sflag:s23], $0x2780  }
0x40: {  	[sflag:s23] =	ssyncset.done $0x0  }
0x41: {  	[sflag:s23] =	ssyncadd.s32 $0xFFFFD880  }
0x42: {  	[tilespmem:s24], [sflag:$0x2] =	stream.linear.gather [hbm4b:s7+s29], $0x2780, $0x38;
	[tilespmem:$0x1D000] =	vst v63  }
0x43: {  	_ =	swait.ge [sflag:s23], $0x2780  }
0x44: {  	[sflag:s23] =	ssyncset.done $0x0  }
0x45: {  	s29 =	simm.s32 $0x0;
	[sflag:s23] =	ssyncadd.s32 $0xFFFFD880  }
0x46: {  	[tilespmem:s22], [sflag:$0x1] =	stream.indirect.gather [hbm4b:s4+s25], $0x80, s29, s25, $0xb8;
	[tilespmem:$0x1D000] =	vst v63  }
0x47: {  	_ =	swait.ge [sflag:s26], $0x4000  }
0x48: {  	[sflag:s26] =	ssyncset.done $0x0  }
0x49: {  	s29 =	simm.s32 $0x2800;
	[sflag:s26] =	ssyncadd.s32 $0xFFFFC000  }
0x4a: {  	[spmem:s1] =	stream.indirect.scatter.add.f32 [tilespmem:s22], [sflag:$0x2], $0x80, s29, s25, $0xb8;
	[tilespmem:$0x1D000] =	vst v63  }
0x4b: {  	_ =	swait.ge [sflag:s23], $0x4000  }
0x4c: {  	s30 =	simm.s32 $0x400;
	s29 =	simm.s32 $0x200;
	[sflag:s23] =	ssyncset.done $0x0  }
.LBB2_4:
0x4d: {  	s31 =	sshra.s32 s29, $0x2  }
0x4e: {  	[sflag:s23] =	ssyncadd.s32 $0xFFFFC000;
	s29 =	smov.u32 s30;
	s0 =	sadd.s32 $0x200, s30  }
0x4f: {  	[tilespmem:s22], [sflag:$0x1] =	stream.indirect.gather [hbm4b:s4+s25], $0x80, s31, s25, $0xb8;
	[tilespmem:$0x1D000] =	vst v63  }
0x50: {  	p0 =	sne.s32 s30, $0x9C00;
	_ =	swait.ge [sflag:s26], $0x4000  }
.Ltmp1:
0x51: {  	[sflag:s26] =	ssyncset.done $0x0;
	(pc) =	sbr.rel @p0 .LBB2_4-.Ltmp1, $4  }
0x52: {  	s30 =	sadd.s32 $0x2800, s31;
	[sflag:s26] =	ssyncadd.s32 $0xFFFFC000  }
0x53: {  	[spmem:s1] =	stream.indirect.scatter.add.f32 [tilespmem:s22], [sflag:$0x2], $0x80, s30, s25, $0xb8;
	[tilespmem:$0x1D000] =	vst v63  }
0x54: {  	_ =	swait.ge [sflag:s23], $0x4000  }
0x55: {  	s30 =	smov.u32 s0;
	[sflag:s23] =	ssyncset.done $0x0  }
0x56: {  	s0 =	sshra.s32 s29, $0x2;
	[sflag:s23] =	ssyncadd.s32 $0xFFFFC000  }
0x57: {  	[tilespmem:s22], [sflag:$0x1] =	stream.indirect.gather [hbm4b:s4+s25], $0x80, s0, s25, $0xb8;
	[tilespmem:$0x1D000] =	vst v63  }
0x58: {  	_ =	swait.ge [sflag:s26], $0x4000  }
0x59: {  	[sflag:s26] =	ssyncset.done $0x0  }
0x5a: {  	s0 =	sadd.s32 $0x2800, s0;
	[sflag:s26] =	ssyncadd.s32 $0xFFFFC000  }
0x5b: {  	[spmem:s1] =	stream.indirect.scatter.add.f32 [tilespmem:s22], [sflag:$0x2], $0x80, s0, s25, $0xb8;
	[tilespmem:$0x1D000] =	vst v63  }
0x5c: {  	_ =	swait.ge [sflag:s23], $0x4000  }
0x5d: {  	[sflag:s23] =	ssyncset.done $0x0  }
0x5e: {  	[sflag:s23] =	ssyncadd.s32 $0xFFFFC000  }
0x5f: {  	[bflag:$0x0] =	sbarrier.arrive $0xFFFF  }
0x60: {  	[tilespmem:s22], [sflag:$0x2] =	stream.linear.gather [spmem:s5], $0x4000, $0x38;
	[tilespmem:$0x1D000] =	vst v63  }
0x61: {  	_ =	swait.ge [sflag:s23], $0x4000  }
0x62: {  	[sflag:s23] =	ssyncset.done $0x0  }
0x63: {  	[sflag:s23] =	ssyncadd.s32 $0xFFFFC000  }
0x64: {  	[hbm4b:s13+s3] =	stream.linear.scatter [tilespmem:s22], [sflag:$0x2], $0x4000, $0x38;
	[tilespmem:$0x1D000] =	vst v63  }
0x65: {  	_ =	swait.ge [sflag:s23], $0x4000  }
0x66: {  	[sflag:s23] =	ssyncset.done $0x0  }
0x67: {  	[sflag:s23] =	ssyncadd.s32 $0xFFFFC000  }
0x68: {  	[tilespmem:s22], [sflag:$0x2] =	stream.linear.gather [spmem:s14], $0x4000, $0x38;
	[tilespmem:$0x1D000] =	vst v63  }
0x69: {  	_ =	swait.ge [sflag:s23], $0x4000  }
0x6a: {  	[sflag:s23] =	ssyncset.done $0x0  }
0x6b: {  	[sflag:s23] =	ssyncadd.s32 $0xFFFFC000  }
0x6c: {  	[hbm4b:s15+s3] =	stream.linear.scatter [tilespmem:s22], [sflag:$0x2], $0x4000, $0x38;
	[tilespmem:$0x1D000] =	vst v63  }
0x6d: {  	_ =	swait.ge [sflag:s23], $0x4000  }
0x6e: {  	[sflag:s23] =	ssyncset.done $0x0  }
0x6f: {  	[sflag:s23] =	ssyncadd.s32 $0xFFFFC000  }
0x70: {  	[tilespmem:s22], [sflag:$0x2] =	stream.linear.gather [spmem:s16], $0x4000, $0x38;
	[tilespmem:$0x1D000] =	vst v63  }
0x71: {  	_ =	swait.ge [sflag:s23], $0x4000  }
0x72: {  	[sflag:s23] =	ssyncset.done $0x0  }
0x73: {  	[sflag:s23] =	ssyncadd.s32 $0xFFFFC000  }
0x74: {  	[hbm4b:s17+s3] =	stream.linear.scatter [tilespmem:s22], [sflag:$0x2], $0x4000, $0x38;
	[tilespmem:$0x1D000] =	vst v63  }
0x75: {  	_ =	swait.ge [sflag:s23], $0x4000  }
0x76: {  	[sflag:s23] =	ssyncset.done $0x0  }
0x77: {  	[sflag:s23] =	ssyncadd.s32 $0xFFFFC000  }
0x78: {  	[tilespmem:s22], [sflag:$0x2] =	stream.linear.gather [spmem:s18], $0x4000, $0x38;
	[tilespmem:$0x1D000] =	vst v63  }
0x79: {  	_ =	swait.ge [sflag:s23], $0x4000  }
0x7a: {  	[sflag:s23] =	ssyncset.done $0x0  }
0x7b: {  	[sflag:s23] =	ssyncadd.s32 $0xFFFFC000  }
0x7c: {  	[hbm4b:s19+s3] =	stream.linear.scatter [tilespmem:s22], [sflag:$0x2], $0x4000, $0x38;
	[tilespmem:$0x1D000] =	vst v63  }
0x7d: {  	_ =	swait.ge [sflag:s23], $0x4000  }
0x7e: {  	[sflag:s23] =	ssyncset.done $0x0  }
0x7f: {  	[sflag:s23] =	ssyncadd.s32 $0xFFFFC000  }
0x80: {  	[tilespmem:s22], [sflag:$0x2] =	stream.linear.gather [spmem:s20], $0x4000, $0x38;
	[tilespmem:$0x1D000] =	vst v63  }
0x81: {  	s28 =	sadd.s32 $0x1, s28;
	_ =	swait.ge [sflag:s23], $0x4000  }
0x82: {  	p0 =	sne.s32 s28, s8;
	[sflag:s23] =	ssyncset.done $0x0  }
.Ltmp2:
0x83: {  	[sflag:s23] =	ssyncadd.s32 $0xFFFFC000;
	(pc) =	sbr.rel @p0 .LBB2_1-.Ltmp2, $4  }
0x84: {  	[hbm4b:s21+s3] =	stream.linear.scatter [tilespmem:s22], [sflag:$0x2], $0x4000, $0x38;
	[tilespmem:$0x1D000] =	vst v63  }
0x85: {  	_ =	swait.ge [sflag:s23], $0x4000  }
0x86: {  	[sflag:s23] =	ssyncset.done $0x0  }
0x87: {  	[sflag:s23] =	ssyncadd.s32 $0xFFFFC000  }
0x88: {  	_ =	sfence.sel $0x180000  }
0x89: {  	[bflag:$0x0] =	sbarrier.arrive $0xFFFF  }
0x8a: {  	_ =	strace $0x9000004D  }
0x8b: {  	[bflag:$0x2] =	sbarrier.arrive $0xFFFF  }
0x8c: {  	p0 =	sne.s32 s2, $0x0;
	s0 =	rddreg [dreg:$0x3]  }
0x8d: {  	s0 =	sadd.s32 @!p0 $0x100000, s0  }
0x8e: {  	[sflag:s0] =	ssyncadd.tile.s32 @!p0 $0x1;
	_ =	shalt  }
.Lfunc_end2:
_tile_overlayer_lowered:
.L_overlay_start_2:
0x8f: {  	(tag) =	ssettag $0x2  }
0x90: {  	s0 =	rddreg [dreg:$0x0];
	s2 =	stileid.u32  }
0x91: {  	s1 =	rddreg [dreg:$0x1];
	p0 =	sne.s32 s2, $0x0  }
0x92: {  	s3 =	rddreg [dreg:$0x2];
	[bflag:$0x3] =	sbarrier.arrive $0xFFFF;
	s2 =	simm.s32 @!p0 $0x1C02  }
0x93: {  	[timem:s3], [sflag:s2] =	dma.local @!p0 [hbm:s0], s1  }
0x94: {  	s0 =	simm.s32 @!p0 $0x2  }
0x95: {  	_ =	swait.ge @!p0 [sflag:s0], s1  }
0x96: {  	s1 =	ssub.s32 @!p0 $0x0, s1;
	[sflag:s0] =	ssyncset.done @!p0 $0x0  }
0x97: {  	[sflag:s0] =	ssyncadd.s32 @!p0 s1  }
0x98: {  	[bflag:$0x3] =	sbarrier.arrive $0xFFFF  }
0x99: {  	_ =	shalt  }

// kernel: kernel.19.cloned.1.call-start
scs
__scs_entry_jumppad:
0x0: {  	(pc) =	sbr.rel $0x88, $3  }
0x1: {  	(tag) =	ssettag $0x0;
	lr =	simm.s32 $0x1  }
0x2: {  	[smem:$0x3F99] =	sst lr;
	_ =	strace $0xD0000000  }
0x3: {  	_ = 	snop  }
0x4: {  	_ = 	snop  }
0x5: {  	_ = 	snop  }
0x6: {  	_ = 	snop  }
0x7: {  	_ = 	snop  }
__scs_overlays_trampoline_lowered:
0x8: {  	[smem:$0x3FA8] =	sst s0  }
0x9: {  	[smem:$0x3FA9] =	sst s1  }
0xa: {  	[smem:$0x3FAA] =	sst s2  }
0xb: {  	[smem:$0x3FAB] =	sst s3  }
0xc: {  	[smem:$0x3FAC] =	sst s4  }
0xd: {  	[smem:$0x3FAD] =	sst s5  }
0xe: {  	[smem:$0x3FAE] =	sst s6  }
0xf: {  	[smem:$0x3FAF] =	sst s7  }
0x10: {  	[smem:$0x3FB0] =	sst s8  }
0x11: {  	[smem:$0x3FB1] =	sst s9;
	s0 =	simm.s32 @!p0 $0x0  }
0x12: {  	s1 =	sld [smem:$0x3F97];
	s0 =	simm.s32 @p0 $0x1  }
0x13: {  	[smem:$0x3FB2] =	sst s0;
	s0 =	simm.s32 @!p1 $0x0  }
0x14: {  	s2 =	sld [smem:$0x3F96];
	s0 =	simm.s32 @p1 $0x1  }
0x15: {  	[smem:$0x3FB3] =	sst s0;
	s0 =	simm.s32 @!p2 $0x0  }
0x16: {  	s3 =	sld [smem:$0x3FDB];
	s0 =	simm.s32 @p2 $0x1  }
0x17: {  	s4 =	simm.s32 $0x1BF5;
	[smem:$0x3FB5] =	sst s0  }
0x18: {  	s0 =	sld [smem:$0x3F98];
	_ =	swait.ge [sflag:s4], $0x0  }
0x19: {  	s7 =	sld [smem:$0x3F99]  }
0x1a: {  	s8 =	sadd.s32 $0xFFFFE003, lr  }
0x1b: {  	s9 =	sadd.s32 $0xFFFFFEF7, lr;
	s5 =	simm.s32 $0xFFFFFFFF;
	p2 =	slt.u32 s8, $0xFFFFF086  }
0x1c: {  	p1 =	slt.u32 s9, $0xF7A;
	s5 =	simm.s32 @!p2 $0x0  }
0x1d: {  	s5 =	simm.s32 @p1 $0x1;
	p0 =	seq.s32 s7, s2  }
0x1e: {  	s7 =	smul.u32 @!p0 $0xF7A, s2;
	p2 =	seq.s32 @!p0 s5, $0x0  }
0x1f: {  	s9 =	smul.u32 $0xF7A, s1;
	s8 =	simm.s32 @!p0 $0x1BF5;
	p2 =	por !p2, p0  }
0x20: {  	[sflag:s8] =	ssyncset.s32 @!p0 $0xFFFFF086;
	s6 =	sadd.s32 @!p0 s3, s7;
	s7 =	simm.s32 @!p0 $0x108  }
0x21: {  	s3 =	sadd.s32 s3, s9;
	s6 =	sadd.s32 @!p0 $0x88, s6;
	s7 =	simm.s32 @p2 $0x1082  }
0x22: {  	[simem:s7], [sflag:s8] =	dma.local @!p0 [hbm:s6], $0xF7A  }
0x23: {  	s9 =	sor.u32 $0xD0000000, s2;
	s6 =	simm.s32 $0x108;
	_ =	swait.ge @!p0 [sflag:s8], $0x0  }
0x24: {  	s3 =	sadd.s32 $0x88, s3;
	s6 =	simm.s32 @!p1 $0x1082;
	[sflag:s4] =	ssyncset.s32 $0xFFFFF086  }
0x25: {  	[simem:s6], [sflag:s4] =	dma.local [hbm:s3], $0xF7A  }
0x26: {  	[smem:$0x3F99] =	sst s1;
	(tag) =	ssettag s2;
	_ =	strace s9  }
0x27: {  	s1 =	sld [smem:$0x3FA9]  }
0x28: {  	s2 =	sld [smem:$0x3FAA]  }
0x29: {  	s4 =	sld [smem:$0x3FAC]  }
0x2a: {  	p0 =	seq.s32 s5, $0x0;
	s5 =	sld [smem:$0x3FAD]  }
0x2b: {  	s6 =	sld [smem:$0x3FAE]  }
0x2c: {  	s7 =	sld [smem:$0x3FAF]  }
0x2d: {  	s3 =	simm.s32 $0x108;
	s8 =	sld [smem:$0x3FB0]  }
0x2e: {  	s3 =	simm.s32 @!p0 $0x1082;
	s9 =	sld [smem:$0x3FB1]  }
0x2f: {  	lr =	sadd.s32 s0, s3;
	s0 =	sld [smem:$0x3FA8]  }
0x30: {  	s3 =	sld [smem:$0x3FAB]  }
0x31: {  	[smem:$0x3FB4] =	sst s10  }
0x32: {  	s10 =	sld [smem:$0x3FB2];
	_ =	sdelay $0x3  }
0x33: {  	p0 =	seq.s32 s10, $0x1;
	s10 =	sld [smem:$0x3FB4];
	_ =	sdelay $0x3  }
0x34: {  	[smem:$0x3FB4] =	sst s10  }
0x35: {  	s10 =	sld [smem:$0x3FB3];
	_ =	sdelay $0x3  }
0x36: {  	p1 =	seq.s32 s10, $0x1;
	s10 =	sld [smem:$0x3FB4];
	_ =	sdelay $0x3  }
0x37: {  	[smem:$0x3FB4] =	sst s10  }
0x38: {  	s10 =	sld [smem:$0x3FB5]  }
0x39: {  	_ = 	snop;
	(pc) =	sbr.ind lr, $3  }
0x3a: {  	_ = 	snop  }
0x3b: {  	_ = 	snop  }
0x3c: {  	p2 =	seq.s32 s10, $0x1;
	s10 =	sld [smem:$0x3FB4]  }
0x3d: {  	_ =	shalt  }
0x3e: {  	_ =	shalt  }
0x3f: {  	_ =	shalt  }
0x40: {  	_ =	shalt  }
0x41: {  	_ =	shalt  }
0x42: {  	_ =	shalt  }
0x43: {  	_ =	shalt  }
0x44: {  	_ =	shalt  }
0x45: {  	_ =	shalt  }
0x46: {  	_ =	shalt  }
0x47: {  	_ =	shalt  }
0x48: {  	_ =	shalt  }
0x49: {  	_ =	shalt  }
0x4a: {  	_ =	shalt  }
0x4b: {  	_ =	shalt  }
0x4c: {  	_ =	shalt  }
0x4d: {  	_ =	shalt  }
0x4e: {  	_ =	shalt  }
0x4f: {  	_ =	shalt  }
0x50: {  	_ =	shalt  }
0x51: {  	_ =	shalt  }
0x52: {  	_ =	shalt  }
0x53: {  	_ =	shalt  }
0x54: {  	_ =	shalt  }
0x55: {  	_ =	shalt  }
0x56: {  	_ =	shalt  }
0x57: {  	_ =	shalt  }
0x58: {  	_ =	shalt  }
0x59: {  	_ =	shalt  }
0x5a: {  	_ =	shalt  }
0x5b: {  	_ =	shalt  }
0x5c: {  	_ =	shalt  }
0x5d: {  	_ =	shalt  }
0x5e: {  	_ =	shalt  }
0x5f: {  	_ =	shalt  }
0x60: {  	_ =	shalt  }
0x61: {  	_ =	shalt  }
0x62: {  	_ =	shalt  }
0x63: {  	_ =	shalt  }
0x64: {  	_ =	shalt  }
0x65: {  	_ =	shalt  }
0x66: {  	_ =	shalt  }
0x67: {  	_ =	shalt  }
0x68: {  	_ =	shalt  }
0x69: {  	_ =	shalt  }
0x6a: {  	_ =	shalt  }
0x6b: {  	_ =	shalt  }
0x6c: {  	_ =	shalt  }
0x6d: {  	_ =	shalt  }
0x6e: {  	_ =	shalt  }
0x6f: {  	_ =	shalt  }
0x70: {  	_ =	shalt  }
0x71: {  	_ =	shalt  }
0x72: {  	_ =	shalt  }
0x73: {  	_ =	shalt  }
0x74: {  	_ =	shalt  }
0x75: {  	_ =	shalt  }
0x76: {  	_ =	shalt  }
0x77: {  	_ =	shalt  }
0x78: {  	_ =	shalt  }
0x79: {  	_ =	shalt  }
0x7a: {  	_ =	shalt  }
0x7b: {  	_ =	shalt  }
0x7c: {  	_ =	shalt  }
0x7d: {  	_ =	shalt  }
0x7e: {  	_ =	shalt  }
0x7f: {  	_ =	shalt  }
0x80: {  	_ =	shalt  }
0x81: {  	_ =	shalt  }
0x82: {  	_ =	shalt  }
0x83: {  	_ =	shalt  }
0x84: {  	_ =	shalt  }
0x85: {  	_ =	shalt  }
0x86: {  	_ =	shalt  }
0x87: {  	_ =	shalt  }
.Lfunc_end0:
.L_simem_size_0:
called_computation.3_lowered:
.L_overlay_start_0:
0x88: {  	s2 =	sld [smem:$0x3FD9]  }
0x89: {  	s3 =	sld [smem:$0x3FFE];
	_ =	sdelay $0x1  }
0x8a: {  	s1 =	srdreg.scid  }
0x8b: {  	s0 =	sand.u32 $0x1, s1  }
0x8c: {  	s14 =	sshll.u32 s0, $0xA;
	s2 =	sadd.s32 s3, s2  }
0x8d: {  	s2 =	sadd.s32 s2, s14  }
0x8e: {  	[smem:$0x3FC0] =	sst s2  }
0x8f: {  	_ = 	snop  }
0x90: {  	s2 =	sld [smem:$0x3FD0];
	_ =	sdelay $0x2  }
0x91: {  	s15 =	simm.s32 $0xA;
	s4 =	simm.s32 $0x10  }
0x92: {  	[smem:s4], [sflag:s15] =	dma.local [hbm:s2], $0x1  }
0x93: {  	_ =	swait.eq [sflag:s15], $0x1  }
0x94: {  	[sflag:s15] =	ssyncset.done $0x0  }
0x95: {  	[sflag:s15] =	ssyncadd.s32 $0xFFFFFFFF  }
0x96: {  	s16 =	sld [smem:$0x10];
	(tm) =	ssettm $0x1  }
0x97: {  	s17 =	sld [smem:$0x3FFB];
	_ =	sdelay $0x3  }
0x98: {  	_ =	strace s17  }
0x99: {  	s3 =	sld [smem:$0x3FFC];
	_ =	sdelay $0x3  }
0x9a: {  	_ =	strace s3  }
0x9b: {  	s3 =	sld [smem:$0x3FFD];
	_ =	sdelay $0x3  }
0x9c: {  	_ =	strace s3  }
0x9d: {  	_ =	strace $0x8FFFFFFF  }
0x9e: {  	s18 =	sld [smem:$0x3FDB];
	_ =	sdelay $0x1  }
0x9f: {  	s19 =	simm.s32 $_scs_section_size  }
0xa0: {  	s5 =	simm.s32 $_size__tile_overlayer_lowered;
	s6 =	simm.s32 $_tile_overlayer_lowered  }
0xa1: {  	s22 =	simm.s32 $0x1BFF;
	s21 =	sshll.u32 s6, $0x1;
	s3 =	sadd.s32 s19, s18  }
0xa2: {  	s7 =	simm.s32 $0x0;
	s20 =	sshll.u32 s5, $0x1;
	s5 =	sadd.s32 s21, s3  }
0xa3: {  	[timem:s7], [sflag:s22] =	dma.local [hbm:s5], s20  }
0xa4: {  	_ =	swait.ge [sflag:s22], s20  }
0xa5: {  	s4 =	ssub.s32 $0x0, s20;
	[sflag:s22] =	ssyncset.done $0x0  }
0xa6: {  	[sflag:s22] =	ssyncadd.s32 s4;
	_ =	sdelay $0x1  }
0xa7: {  	s23 =	simm.s32 $0x1B8B  }
0xa8: {  	_ =	swait.ge [sflag:s23], $0x1  }
0xa9: {  	[sflag:s23] =	ssyncset.done $0x0  }
0xaa: {  	s25 =	simm.s32 $0x1B8E;
	s24 =	sld [smem:$0x3FFE];
	[sflag:s23] =	ssyncadd.s32 $0xFFFFFFFF  }
0xab: {  	s26 =	simm.s32 $execute0_lowered;
	[smem:$0x3FD2] =	sst s25  }
0xac: {  	s5 =	sshll.u32 s26, $0x1;
	_ =	strace $0x8000004F;
	[dreg:$0x1] =	wrdreg $0xFFFFFFFF  }
0xad: {  	s28 =	simm.s32 $_size_execute0_lowered;
	s3 =	sadd.s32 s3, s5;
	[dreg:$0x0] =	wrdreg $0x0  }
0xae: {  	s5 =	sshll.u32 s28, $0x1;
	[dreg:$0x2] =	wrdreg s3  }
0xaf: {  	[dreg:$0x3] =	wrdreg s5  }
0xb0: {  	[dreg:$0x4] =	wrdreg $0xC0  }
0xb1: {  	_ =	task [dreg:s7], $0x5FFFF  }
0xb2: {  	[dreg:$0x1] =	wrdreg $0xFFFFFFFF  }
0xb3: {  	[dreg:$0x0] =	wrdreg $0x60  }
0xb4: {  	[dreg:$0x2] =	wrdreg s24  }
0xb5: {  	[dreg:$0x3] =	wrdreg s16  }
0xb6: {  	[dreg:$0x4] =	wrdreg $0x90000  }
0xb7: {  	[dreg:$0x5] =	wrdreg $0x9  }
0xb8: {  	_ =	task.clear_ibuf [dreg:s7], $0x6FFFF;
	_ =	strace $0x9000004F  }
0xb9: {  	s29 =	simm.s32 $0x9;
	_ =	strace $0x80000051  }
0xba: {  	_ =	swait.ge [sflag:s29], $0x1  }
0xbb: {  	[sflag:s29] =	ssyncadd.s32 $0xFFFFFFFF  }
0xbc: {  	_ =	strace $0x90000051  }
0xbd: {  	_ =	sfence  }
0xbe: {  	s30 =	sld [smem:$0x0];
	_ =	sdelay $0x2  }
0xbf: {  	s31 =	sshll.u32 s1, $0xD;
	s1 =	sshrl.u32 s1, $0x2  }
0xc0: {  	s3 =	sand.u32 $0x4000, s31;
	s1 =	sadd.s32 s1, s30  }
0xc1: {  	s0 =	sor.u32 s3, s0;
	s1 =	sshll.u32 s1, $0x11  }
0xc2: {  	s0 =	sor.u32 s1, s0  }
0xc3: {  	s0 =	sadd.s32 $0x8F2B, s0  }
0xc4: {  	[sflag:s0] =	ssyncadd.remote.s32 $0x1  }
0xc5: {  	_ =	sfence.sel $0xFFFF  }
0xc6: {  	[dreg:$0x0] =	wrdreg $0xFFFFFFFF;
	(pc) =	sbr.abs _section_cstart, $3  }
0xc7: {  	[dreg:$0x1] =	wrdreg $0xFFFFFFFF  }
0xc8: {  	_ =	task.clear_ibuf [dreg:s7], $0x2FFFF;
	_ =	strace $0x9FFFFFFF  }
0xc9: {  	(tm) =	ssettm $0x7FFFFFFF  }
tec
execute0_lowered:
.L_overlay_start_1:
0x0: {  	(tag) =	ssettag $0x1  }
0x1: {  	s5 =	rddreg [dreg:$0x0]  }
0x2: {  	s6 =	rddreg [dreg:$0x1]  }
0x3: {  	s1 =	rddreg [dreg:$0x2]  }
0x4: {  	s2 =	srdreg.scid;
	s3 =	simm.s32 $0x0;
	s28 =	simm.s32 $0x0  }
0x5: {  	s7 =	sand.u32 $0x1, s2;
	s2 =	stileid.u32;
	[smem:$0x7FF] =	sst s3  }
0x6: {  	s21 =	sadd.s32 $0x35200, s5;
	s4 =	sshll.u32 s7, $0x4;
	s10 =	smul.u32 $0x50000, s2  }
0x7: {  	_ =	strace $0x80000050;
	s9 =	ssub.s32 $0x2, s7;
	s18 =	smul.u32 $0x280, s2  }
0x8: {  	s19 =	smul.u32 $0x2800, s7;
	s4 =	sor.u32 s2, s4;
	s22 =	sshrl.u32 s9, $0x1  }
0x9: {  	s8 =	smul.u32 $0x500, s4;
	s4 =	sadd.s32 $0xD200, s5;
	s9 =	ssub.s32 s9, s22  }
0xa: {  	s23 =	sshrl.u32 s10, $0x2;
	s13 =	sadd.s32 s19, s18;
	s14 =	sadd.s32 $0x80, s18  }
0xb: {  	s25 =	sadd.s32 $0x100, s18;
	s29 =	sadd.s32 $0x180, s18;
	s13 =	sshll.u32 s13, $0x4  }
0xc: {  	s15 =	sshll.u32 s14, $0x7;
	s16 =	sadd.s32 s19, s14;
	s17 =	sshll.u32 s25, $0x7  }
0xd: {  	s20 =	sadd.s32 s19, s25;
	s22 =	sshll.u32 s29, $0x7;
	s25 =	simm.s32 $0x80  }
0xe: {  	s11 =	sadd.s32 s8, s5;
	s5 =	sadd.s32 s23, s1;
	s6 =	sadd.s32 s6, s8  }
0xf: {  	s8 =	smax.u32 s9, $0x1;
	s13 =	sadd.s32 s21, s13;
	s14 =	sadd.s32 s15, s1  }
0x10: {  	s24 =	sshll.u32 s16, $0x4;
	s16 =	sadd.s32 s17, s1;
	s26 =	sshll.u32 s20, $0x4  }
0x11: {  	s23 =	sadd.s32 $0x200, s18;
	s18 =	sadd.s32 s22, s1;
	s20 =	sadd.s32 s19, s29  }
0x12: {  	s22 =	simm.s32 $0x5000;
	s7 =	sadd.s32 $0x3200, s11;
	s9 =	sadd.s32 $0x4000, s5  }
0x13: {  	s10 =	sadd.s32 $0x8000, s5;
	s11 =	sadd.s32 $0xC000, s5;
	s12 =	sadd.s32 $0x10000, s5  }
0x14: {  	s15 =	sadd.s32 s21, s24;
	s17 =	sadd.s32 s21, s26;
	s19 =	sadd.s32 s19, s23  }
0x15: {  	s20 =	sshll.u32 s20, $0x4;
	s30 =	sshll.u32 s23, $0x7;
	s23 =	simm.s32 $0x2  }
0x16: {  	s24 =	simm.s32 $0x2800;
	s26 =	simm.s32 $0x1;
	s31 =	sshll.u32 s19, $0x4  }
0x17: {  	v0 =	vimm.f32 $0.0e+00;
	s19 =	sadd.s32 s21, s20;
	s20 =	sadd.s32 s30, s1;
	s21 =	sadd.s32 s21, s31  }
.LBB2_1:
0x18: {  	s29 =	simm.s32 $0x0;
	s30 =	simm.s32 $0x200  }
.LBB2_2:
0x19: {  	p0 =	sne.s32 s30, $0xFE00;
	[tilespmem:s29+$0x5070] =	vst v0  }
0x1a: {  	[tilespmem:s29+$0x5000] =	vst v0  }
0x1b: {  	[tilespmem:s29+$0x5010] =	vst v0  }
.Ltmp0:
0x1c: {  	[tilespmem:s29+$0x5020] =	vst v0;
	(pc) =	sbr.rel @p0 .LBB2_2-.Ltmp0, $4  }
0x1d: {  	[tilespmem:s29+$0x5030] =	vst v0  }
0x1e: {  	[tilespmem:s29+$0x5040] =	vst v0  }
0x1f: {  	[tilespmem:s29+$0x5050] =	vst v0  }
0x20: {  	[tilespmem:s29+$0x5060] =	vst v0;
	s29 =	sshra.s32 s30, $0x2;
	s30 =	sadd.s32 $0x200, s30  }
0x21: {  	[tilespmem:s29+$0x5070] =	vst v0  }
0x22: {  	[tilespmem:s29+$0x5000] =	vst v0  }
0x23: {  	[tilespmem:s29+$0x5010] =	vst v0  }
0x24: {  	[tilespmem:s29+$0x5020] =	vst v0  }
0x25: {  	[tilespmem:s29+$0x5030] =	vst v0  }
0x26: {  	[tilespmem:s29+$0x5040] =	vst v0  }
0x27: {  	[tilespmem:s29+$0x5050] =	vst v0  }
0x28: {  	[tilespmem:s29+$0x5060] =	vst v0  }
0x29: {  	[spmem:s5] =	stream.linear.scatter [tilespmem:s22], [sflag:$0x2], $0x4000, $0x38;
	[tilespmem:$0x1D000] =	vst v63  }
0x2a: {  	_ =	swait.ge [sflag:s23], $0x4000  }
0x2b: {  	[sflag:s23] =	ssyncset.done $0x0  }
0x2c: {  	[sflag:s23] =	ssyncadd.s32 $0xFFFFC000  }
0x2d: {  	[spmem:s9] =	stream.linear.scatter [tilespmem:s22], [sflag:$0x2], $0x4000, $0x38;
	[tilespmem:$0x1D000] =	vst v63  }
0x2e: {  	_ =	swait.ge [sflag:s23], $0x4000  }
0x2f: {  	[sflag:s23] =	ssyncset.done $0x0  }
0x30: {  	[sflag:s23] =	ssyncadd.s32 $0xFFFFC000  }
0x31: {  	[spmem:s10] =	stream.linear.scatter [tilespmem:s22], [sflag:$0x2], $0x4000, $0x38;
	[tilespmem:$0x1D000] =	vst v63  }
0x32: {  	_ =	swait.ge [sflag:s23], $0x4000  }
0x33: {  	[sflag:s23] =	ssyncset.done $0x0  }
0x34: {  	[sflag:s23] =	ssyncadd.s32 $0xFFFFC000  }
0x35: {  	[spmem:s11] =	stream.linear.scatter [tilespmem:s22], [sflag:$0x2], $0x4000, $0x38;
	[tilespmem:$0x1D000] =	vst v63  }
0x36: {  	_ =	swait.ge [sflag:s23], $0x4000  }
0x37: {  	[sflag:s23] =	ssyncset.done $0x0  }
0x38: {  	[sflag:s23] =	ssyncadd.s32 $0xFFFFC000  }
0x39: {  	[spmem:s12] =	stream.linear.scatter [tilespmem:s22], [sflag:$0x2], $0x4000, $0x38;
	[tilespmem:$0x1D000] =	vst v63  }
0x3a: {  	_ =	swait.ge [sflag:s23], $0x4000  }
0x3b: {  	[sflag:s23] =	ssyncset.done $0x0  }
0x3c: {  	[sflag:s23] =	ssyncadd.s32 $0xFFFFC000  }
0x3d: {  	s29 =	simm.s32 $0x0;
	[bflag:$0x0] =	sbarrier.arrive $0xFFFF  }
0x3e: {  	[tilespmem:s29], [sflag:$0x2] =	stream.linear.gather [hbm4b:s6+s29], $0x2780, $0x38;
	[tilespmem:$0x1D000] =	vst v63  }
0x3f: {  	_ =	swait.ge [sflag:s23], $0x2780  }
0x40: {  	[sflag:s23] =	ssyncset.done $0x0  }
0x41: {  	[sflag:s23] =	ssyncadd.s32 $0xFFFFD880  }
0x42: {  	[tilespmem:s24], [sflag:$0x2] =	stream.linear.gather [hbm4b:s7+s29], $0x2780, $0x38;
	[tilespmem:$0x1D000] =	vst v63  }
0x43: {  	_ =	swait.ge [sflag:s23], $0x2780  }
0x44: {  	[sflag:s23] =	ssyncset.done $0x0  }
0x45: {  	s29 =	simm.s32 $0x0;
	[sflag:s23] =	ssyncadd.s32 $0xFFFFD880  }
0x46: {  	[tilespmem:s22], [sflag:$0x1] =	stream.indirect.gather [hbm4b:s4+s25], $0x80, s29, s25, $0xb8;
	[tilespmem:$0x1D000] =	vst v63  }
0x47: {  	_ =	swait.ge [sflag:s26], $0x4000  }
0x48: {  	[sflag:s26] =	ssyncset.done $0x0  }
0x49: {  	s29 =	simm.s32 $0x2800;
	[sflag:s26] =	ssyncadd.s32 $0xFFFFC000  }
0x4a: {  	[spmem:s1] =	stream.indirect.scatter.add.f32 [tilespmem:s22], [sflag:$0x2], $0x80, s29, s25, $0xb8;
	[tilespmem:$0x1D000] =	vst v63  }
0x4b: {  	_ =	swait.ge [sflag:s23], $0x4000  }
0x4c: {  	s30 =	simm.s32 $0x400;
	s29 =	simm.s32 $0x200;
	[sflag:s23] =	ssyncset.done $0x0  }
.LBB2_4:
0x4d: {  	s31 =	sshra.s32 s29, $0x2  }
0x4e: {  	[sflag:s23] =	ssyncadd.s32 $0xFFFFC000;
	s29 =	smov.u32 s30;
	s0 =	sadd.s32 $0x200, s30  }
0x4f: {  	[tilespmem:s22], [sflag:$0x1] =	stream.indirect.gather [hbm4b:s4+s25], $0x80, s31, s25, $0xb8;
	[tilespmem:$0x1D000] =	vst v63  }
0x50: {  	p0 =	sne.s32 s30, $0x9C00;
	_ =	swait.ge [sflag:s26], $0x4000  }
.Ltmp1:
0x51: {  	[sflag:s26] =	ssyncset.done $0x0;
	(pc) =	sbr.rel @p0 .LBB2_4-.Ltmp1, $4  }
0x52: {  	s30 =	sadd.s32 $0x2800, s31;
	[sflag:s26] =	ssyncadd.s32 $0xFFFFC000  }
0x53: {  	[spmem:s1] =	stream.indirect.scatter.add.f32 [tilespmem:s22], [sflag:$0x2], $0x80, s30, s25, $0xb8;
	[tilespmem:$0x1D000] =	vst v63  }
0x54: {  	_ =	swait.ge [sflag:s23], $0x4000  }
0x55: {  	s30 =	smov.u32 s0;
	[sflag:s23] =	ssyncset.done $0x0  }
0x56: {  	s0 =	sshra.s32 s29, $0x2;
	[sflag:s23] =	ssyncadd.s32 $0xFFFFC000  }
0x57: {  	[tilespmem:s22], [sflag:$0x1] =	stream.indirect.gather [hbm4b:s4+s25], $0x80, s0, s25, $0xb8;
	[tilespmem:$0x1D000] =	vst v63  }
0x58: {  	_ =	swait.ge [sflag:s26], $0x4000  }
0x59: {  	[sflag:s26] =	ssyncset.done $0x0  }
0x5a: {  	s0 =	sadd.s32 $0x2800, s0;
	[sflag:s26] =	ssyncadd.s32 $0xFFFFC000  }
0x5b: {  	[spmem:s1] =	stream.indirect.scatter.add.f32 [tilespmem:s22], [sflag:$0x2], $0x80, s0, s25, $0xb8;
	[tilespmem:$0x1D000] =	vst v63  }
0x5c: {  	_ =	swait.ge [sflag:s23], $0x4000  }
0x5d: {  	[sflag:s23] =	ssyncset.done $0x0  }
0x5e: {  	[sflag:s23] =	ssyncadd.s32 $0xFFFFC000  }
0x5f: {  	[bflag:$0x0] =	sbarrier.arrive $0xFFFF  }
0x60: {  	[tilespmem:s22], [sflag:$0x2] =	stream.linear.gather [spmem:s5], $0x4000, $0x38;
	[tilespmem:$0x1D000] =	vst v63  }
0x61: {  	_ =	swait.ge [sflag:s23], $0x4000  }
0x62: {  	[sflag:s23] =	ssyncset.done $0x0  }
0x63: {  	[sflag:s23] =	ssyncadd.s32 $0xFFFFC000  }
0x64: {  	[hbm4b:s13+s3] =	stream.linear.scatter [tilespmem:s22], [sflag:$0x2], $0x4000, $0x38;
	[tilespmem:$0x1D000] =	vst v63  }
0x65: {  	_ =	swait.ge [sflag:s23], $0x4000  }
0x66: {  	[sflag:s23] =	ssyncset.done $0x0  }
0x67: {  	[sflag:s23] =	ssyncadd.s32 $0xFFFFC000  }
0x68: {  	[tilespmem:s22], [sflag:$0x2] =	stream.linear.gather [spmem:s14], $0x4000, $0x38;
	[tilespmem:$0x1D000] =	vst v63  }
0x69: {  	_ =	swait.ge [sflag:s23], $0x4000  }
0x6a: {  	[sflag:s23] =	ssyncset.done $0x0  }
0x6b: {  	[sflag:s23] =	ssyncadd.s32 $0xFFFFC000  }
0x6c: {  	[hbm4b:s15+s3] =	stream.linear.scatter [tilespmem:s22], [sflag:$0x2], $0x4000, $0x38;
	[tilespmem:$0x1D000] =	vst v63  }
0x6d: {  	_ =	swait.ge [sflag:s23], $0x4000  }
0x6e: {  	[sflag:s23] =	ssyncset.done $0x0  }
0x6f: {  	[sflag:s23] =	ssyncadd.s32 $0xFFFFC000  }
0x70: {  	[tilespmem:s22], [sflag:$0x2] =	stream.linear.gather [spmem:s16], $0x4000, $0x38;
	[tilespmem:$0x1D000] =	vst v63  }
0x71: {  	_ =	swait.ge [sflag:s23], $0x4000  }
0x72: {  	[sflag:s23] =	ssyncset.done $0x0  }
0x73: {  	[sflag:s23] =	ssyncadd.s32 $0xFFFFC000  }
0x74: {  	[hbm4b:s17+s3] =	stream.linear.scatter [tilespmem:s22], [sflag:$0x2], $0x4000, $0x38;
	[tilespmem:$0x1D000] =	vst v63  }
0x75: {  	_ =	swait.ge [sflag:s23], $0x4000  }
0x76: {  	[sflag:s23] =	ssyncset.done $0x0  }
0x77: {  	[sflag:s23] =	ssyncadd.s32 $0xFFFFC000  }
0x78: {  	[tilespmem:s22], [sflag:$0x2] =	stream.linear.gather [spmem:s18], $0x4000, $0x38;
	[tilespmem:$0x1D000] =	vst v63  }
0x79: {  	_ =	swait.ge [sflag:s23], $0x4000  }
0x7a: {  	[sflag:s23] =	ssyncset.done $0x0  }
0x7b: {  	[sflag:s23] =	ssyncadd.s32 $0xFFFFC000  }
0x7c: {  	[hbm4b:s19+s3] =	stream.linear.scatter [tilespmem:s22], [sflag:$0x2], $0x4000, $0x38;
	[tilespmem:$0x1D000] =	vst v63  }
0x7d: {  	_ =	swait.ge [sflag:s23], $0x4000  }
0x7e: {  	[sflag:s23] =	ssyncset.done $0x0  }
0x7f: {  	[sflag:s23] =	ssyncadd.s32 $0xFFFFC000  }
0x80: {  	[tilespmem:s22], [sflag:$0x2] =	stream.linear.gather [spmem:s20], $0x4000, $0x38;
	[tilespmem:$0x1D000] =	vst v63  }
0x81: {  	s28 =	sadd.s32 $0x1, s28;
	_ =	swait.ge [sflag:s23], $0x4000  }
0x82: {  	p0 =	sne.s32 s28, s8;
	[sflag:s23] =	ssyncset.done $0x0  }
.Ltmp2:
0x83: {  	[sflag:s23] =	ssyncadd.s32 $0xFFFFC000;
	(pc) =	sbr.rel @p0 .LBB2_1-.Ltmp2, $4  }
0x84: {  	[hbm4b:s21+s3] =	stream.linear.scatter [tilespmem:s22], [sflag:$0x2], $0x4000, $0x38;
	[tilespmem:$0x1D000] =	vst v63  }
0x85: {  	_ =	swait.ge [sflag:s23], $0x4000  }
0x86: {  	[sflag:s23] =	ssyncset.done $0x0  }
0x87: {  	[sflag:s23] =	ssyncadd.s32 $0xFFFFC000  }
0x88: {  	_ =	sfence.sel $0x180000  }
0x89: {  	[bflag:$0x0] =	sbarrier.arrive $0xFFFF  }
0x8a: {  	_ =	strace $0x90000050  }
0x8b: {  	[bflag:$0x2] =	sbarrier.arrive $0xFFFF  }
0x8c: {  	p0 =	sne.s32 s2, $0x0;
	s0 =	rddreg [dreg:$0x3]  }
0x8d: {  	s0 =	sadd.s32 @!p0 $0x100000, s0  }
0x8e: {  	[sflag:s0] =	ssyncadd.tile.s32 @!p0 $0x1;
	_ =	shalt  }
.Lfunc_end2:
_tile_overlayer_lowered:
.L_overlay_start_2:
0x8f: {  	(tag) =	ssettag $0x2  }
0x90: {  	s0 =	rddreg [dreg:$0x0];
	s2 =	stileid.u32  }
0x91: {  	s1 =	rddreg [dreg:$0x1];
	p0 =	sne.s32 s2, $0x0  }
0x92: {  	s3 =	rddreg [dreg:$0x2];
	[bflag:$0x3] =	sbarrier.arrive $0xFFFF;
	s2 =	simm.s32 @!p0 $0x1C02  }
0x93: {  	[timem:s3], [sflag:s2] =	dma.local @!p0 [hbm:s0], s1  }
0x94: {  	s0 =	simm.s32 @!p0 $0x2  }
0x95: {  	_ =	swait.ge @!p0 [sflag:s0], s1  }
0x96: {  	s1 =	ssub.s32 @!p0 $0x0, s1;
	[sflag:s0] =	ssyncset.done @!p0 $0x0  }
0x97: {  	[sflag:s0] =	ssyncadd.s32 @!p0 s1  }
0x98: {  	[bflag:$0x3] =	sbarrier.arrive $0xFFFF  }
0x99: {  	_ =	shalt  }

</sc_bundles>
